<compile_context>
chip_gen: v7x
topology: tpu7x:2x2x1
jax: 0.10.2.dev20260603
libtpu: 0.0.44.dev20260713+nightly
codegen_flags: <defaults>
</compile_context>

<pallas_src>
import functools

import numpy as np
import jax
import jax.numpy as jnp
from jax import lax
from jax.experimental import pallas as pl
from jax.experimental.pallas import tpu as pltpu
from jax.experimental.pallas import tpu_sc as plsc



def _build_lut() -> np.ndarray:
    value_a = [0.0] + [2.0 ** (-2 * i - 1) for i in range(3)]
    value_b = [0.0] + [2.0 ** (-2 * i - 2) for i in range(3)]
    vs = np.array(sorted({a + b for a in value_a for b in value_b}),
                  dtype=np.float32)
    levels = vs * (1.0 / vs.max())
    lev96 = np.round(np.float64(levels) * 96).astype(np.int64)
    mids = (lev96[:-1] + lev96[1:]) // 2
    tab_idx = np.array([(mids <= j).sum() for j in range(97)])
    tab = np.asarray(levels, np.float32)[tab_idx]
    return np.pad(tab, (0, _TAB_PAD - 97)).astype(np.float32)


_TAB_PAD = 112
_LUT = _build_lut()

_ROWS = 4096
_COLS = 4096
_N = _ROWS * _COLS

_RBLOCKS = 32
_BR = _ROWS // _RBLOCKS

_NC = 2
_NS = 16
_NW = _NC * _NS
_PER_W = _N // _NW
_CHUNK = 8192
_NBUF = 2
_NGROUP = _PER_W // (_CHUNK * _NBUF)
_L = 16



def _reduce_body(w_ref, out_ref):
    blk = w_ref[...]
    out_ref[0, 0, 0] = jnp.sum(blk)
    out_ref[0, 0, 1] = jnp.sum(blk * blk)


_reduce = pl.pallas_call(
    _reduce_body,
    grid=(_RBLOCKS,),
    in_specs=[pl.BlockSpec((_BR, _COLS), lambda i: (i, 0))],
    out_specs=pl.BlockSpec((1, 1, 2), lambda i: (i, 0, 0),
                           memory_space=pltpu.SMEM),
    out_shape=jax.ShapeDtypeStruct((_RBLOCKS, 1, 2), jnp.float32),
)



def _quant_body(w_hbm, sb_hbm, tab_hbm, out_hbm, inb0, inb1, outb0, outb1,
                tab_v, sb_v, *sems):
    inbufs = (inb0, inb1)
    outbufs = (outb0, outb1)
    wid = lax.axis_index("s") * _NC + lax.axis_index("c")
    base = wid * _PER_W

    pltpu.sync_copy(tab_hbm, tab_v)
    pltpu.sync_copy(sb_hbm, sb_v)
    s_vec = sb_v[pl.ds(0, _L)]
    b_vec = sb_v[pl.ds(_L, _L)]
    clamp = jnp.full((_L,), 96.0, jnp.float32)
    smask = jnp.full((_L,), np.int32(-2**31), jnp.int32)

    in_sems = sems[:_NBUF]
    out_sems = sems[_NBUF:]

    for b in range(_NBUF):
        pltpu.async_copy(w_hbm.at[pl.ds(base + b * _CHUNK, _CHUNK)],
                         inbufs[b], in_sems[b])

    def compute_chunk(b):
        cref = inbufs[b]
        oref = outbufs[b]

        def inner(i, carry):
            x = cref[pl.ds(i * _L, _L)]
            u = jnp.minimum(jnp.abs(x * s_vec + b_vec), clamp)
            idx = u.astype(jnp.int32)
            g = plsc.load_gather(tab_v, [idx])
            xi = lax.bitcast_convert_type(x, jnp.int32)
            gi = lax.bitcast_convert_type(g, jnp.int32)
            o = lax.bitcast_convert_type(gi | (xi & smask), jnp.float32)
            oref[pl.ds(i * _L, _L)] = o
            return carry

        lax.fori_loop(0, _CHUNK // _L, inner, 0, unroll=8)

    def group(gi, carry):
        for b in range(_NBUF):
            c = gi * _NBUF + b
            off = base + c * _CHUNK
            pltpu.make_async_copy(w_hbm.at[pl.ds(off, _CHUNK)],
                                  inbufs[b], in_sems[b]).wait()
            @pl.when(gi > 0)
            def _():
                pltpu.make_async_copy(
                    outbufs[b], out_hbm.at[pl.ds(off, _CHUNK)],
                    out_sems[b]).wait()

            compute_chunk(b)
            pltpu.async_copy(outbufs[b],
                             out_hbm.at[pl.ds(off, _CHUNK)], out_sems[b])

            @pl.when(gi + 1 < _NGROUP)
            def _():
                noff = base + (c + _NBUF) * _CHUNK
                pltpu.async_copy(w_hbm.at[pl.ds(noff, _CHUNK)],
                                 inbufs[b], in_sems[b])
        return carry

    lax.fori_loop(0, _NGROUP, group, 0)

    for b in range(_NBUF):
        pltpu.make_async_copy(
            outbufs[b], out_hbm.at[pl.ds(base + b * _CHUNK, _CHUNK)],
            out_sems[b]).wait()


_quantize = functools.partial(
    pl.kernel,
    out_type=jax.ShapeDtypeStruct((_N,), jnp.float32),
    mesh=plsc.VectorSubcoreMesh(core_axis_name="c", subcore_axis_name="s"),
    scratch_types=(
        [pltpu.VMEM((_CHUNK,), jnp.float32),
         pltpu.VMEM((_CHUNK,), jnp.float32),
         pltpu.VMEM((_CHUNK,), jnp.float32),
         pltpu.VMEM((_CHUNK,), jnp.float32),
         pltpu.VMEM((_TAB_PAD,), jnp.float32),
         pltpu.VMEM((2 * _L,), jnp.float32)]
        + [pltpu.SemaphoreType.DMA] * (2 * _NBUF)),
    compiler_params=pltpu.CompilerParams(needs_layout_passes=False),
)(_quant_body)



def kernel(weight, wgt_alpha):
    partials = _reduce(weight)
    total = jnp.sum(partials[:, 0, 0])
    total_sq = jnp.sum(partials[:, 0, 1])
    n = jnp.float32(_N)
    mean = total / n
    var = (total_sq - n * mean * mean) / (n - 1.0)
    std = jnp.sqrt(var)

    s = jnp.float32(96.0) / (std * wgt_alpha)
    b = -mean * s
    sb = jnp.concatenate([jnp.full((_L,), s), jnp.full((_L,), b)])
    tab = jnp.asarray(_LUT) * wgt_alpha

    flat = _quantize(weight.reshape(_N), sb, tab)
    return flat.reshape(_ROWS, _COLS)

# --- scband reference (transcript-rebuilt; emitter-appended) ---
"""Pipeline reference for scband-weight-quantize-fn-47940424958076 (READ-ONLY COPY).

The authoritative reference and input builder live on the scoring server;
editing this copy changes nothing except your own understanding.
"""

import jax, jax.numpy as jnp
import numpy as np


def _build_levels():
    # build_power_value(B=4) since w_bit=5 -> B = w_bit - 1 = 4
    value_a = [0.0]
    value_b = [0.0]
    value_c = [0.0]
    for i in range(3):
        value_a.append(2.0 ** (-2 * i - 1))
        value_b.append(2.0 ** (-2 * i - 2))
    vs = set()
    for a in value_a:
        for b in value_b:
            for c in value_c:
                vs.add(a + b + c)
    vs = np.array(sorted(vs), dtype=np.float32)
    levels = vs * (1.0 / vs.max())
    return levels


LEVELS = jnp.asarray(_build_levels())


def _power_quant(x_abs, levels):
    shape = x_abs.shape
    xflat = x_abs.reshape(-1)
    d = jnp.abs(xflat[None, :] - levels[:, None])
    idxs = jnp.argmin(d, axis=0)
    return jnp.take(levels, idxs).reshape(shape)


def _quant_impl(w_norm, alpha):
    x = w_norm / alpha
    x_c = jnp.clip(x, -1.0, 1.0)
    sign = jnp.sign(x_c)
    x_abs = jnp.abs(x_c)
    q = _power_quant(x_abs, LEVELS) * sign
    out = q * alpha
    return out, (x, q)


@jax.custom_vjp
def power_q(w_norm, alpha):
    out, _ = _quant_impl(w_norm, alpha)
    return out


def _pq_fwd(w_norm, alpha):
    out, res = _quant_impl(w_norm, alpha)
    return out, res


def _pq_bwd(res, g):
    x, q = res
    i = (jnp.abs(x) > 1.0).astype(g.dtype)
    sign = jnp.sign(x)
    grad_alpha = jnp.sum(g * (sign * i + (q - x) * (1.0 - i)))
    return (g, grad_alpha)


power_q.defvjp(_pq_fwd, _pq_bwd)


def setup_inputs(seed: int = 0) -> dict:
    key = jax.random.key(seed)
    k1, k2 = jax.random.split(key)
    weight = jax.random.normal(k1, (4096, 4096), dtype=jnp.float32)
    wgt_alpha = jnp.asarray(2.0, dtype=jnp.float32)
    return {"weight": weight, "wgt_alpha": wgt_alpha}


def reference(weight, wgt_alpha):
    # mean/std use .data in torch -> no gradient flows through them
    mean = jax.lax.stop_gradient(jnp.mean(weight))
    std = jax.lax.stop_gradient(jnp.std(weight, ddof=1))
    w_norm = (weight - mean) / std
    weight_q = power_q(w_norm, wgt_alpha)
    return weight_q

if __name__ == "__main__":
    import jax
    _d = setup_inputs()
    print(jax.jit(kernel)(*tuple(_d.values())))

</pallas_src>

<mosaic_0001>
#map = affine_map<(d0, d1) -> (0)>
module attributes {stable_mosaic.version = 14 : i64} {
  func.func @_quant_body(%arg0: i32, %arg1: i32, %arg2: memref<16777216xf32, #tpu.memory_space<hbm>>, %arg3: memref<32xf32, #tpu.memory_space<hbm>>, %arg4: memref<112xf32, #tpu.memory_space<hbm>>, %arg5: memref<16777216xf32, #tpu.memory_space<hbm>>, %arg6: memref<8192xf32, #tpu.memory_space<vmem>>, %arg7: memref<8192xf32, #tpu.memory_space<vmem>>, %arg8: memref<8192xf32, #tpu.memory_space<vmem>>, %arg9: memref<8192xf32, #tpu.memory_space<vmem>>, %arg10: memref<112xf32, #tpu.memory_space<vmem>>, %arg11: memref<32xf32, #tpu.memory_space<vmem>>, %arg12: memref<!tpu.dma_semaphore, #tpu.memory_space<semaphore_mem>>, %arg13: memref<!tpu.dma_semaphore, #tpu.memory_space<semaphore_mem>>, %arg14: memref<!tpu.dma_semaphore, #tpu.memory_space<semaphore_mem>>, %arg15: memref<!tpu.dma_semaphore, #tpu.memory_space<semaphore_mem>>) attributes {dimension_semantics = [#tpu.dimension_semantics<core_parallel>, #tpu.dimension_semantics<subcore_parallel>], iteration_bounds = array<i64: 2, 16>, scalar_prefetch = 0 : i64, scratch_operands = 10 : i64, tpu.core_type = #tpu.core_type<sc_vector_subcore>, window_params = [{transform_indices = #map}, {transform_indices = #map}, {transform_indices = #map}, {transform_indices = #map}]} {
    %mul3A = arith.constant 2 : i32
    %mul3A_0 = arith.muli %arg1, %mul3A : i32
    %add3A = arith.addi %mul3A_0, %arg0 : i32
    %mul3A_1 = arith.constant 524288 : i32
    %mul3A_2 = arith.muli %add3A, %mul3A_1 : i32
    "tpu.region"() ({
      %run_scoped3A = tpu.sem_alloc : memref<!tpu.dma_semaphore, #tpu.memory_space<semaphore_mem>>
      tpu.enqueue_dma source(%arg4 : memref<112xf32, #tpu.memory_space<hbm>>) target(%arg10 : memref<112xf32, #tpu.memory_space<vmem>>) target_semaphore(%run_scoped3A : memref<!tpu.dma_semaphore, #tpu.memory_space<semaphore_mem>>)
      tpu.wait_dma2 semaphore(%run_scoped3A : memref<!tpu.dma_semaphore, #tpu.memory_space<semaphore_mem>>) src(%arg4 : memref<112xf32, #tpu.memory_space<hbm>>) dst(%arg10 : memref<112xf32, #tpu.memory_space<vmem>>)
      tpu.yield
    }) : () -> ()
    "tpu.region"() ({
      %run_scoped3A = tpu.sem_alloc : memref<!tpu.dma_semaphore, #tpu.memory_space<semaphore_mem>>
      tpu.enqueue_dma source(%arg3 : memref<32xf32, #tpu.memory_space<hbm>>) target(%arg11 : memref<32xf32, #tpu.memory_space<vmem>>) target_semaphore(%run_scoped3A : memref<!tpu.dma_semaphore, #tpu.memory_space<semaphore_mem>>)
      tpu.wait_dma2 semaphore(%run_scoped3A : memref<!tpu.dma_semaphore, #tpu.memory_space<semaphore_mem>>) src(%arg3 : memref<32xf32, #tpu.memory_space<hbm>>) dst(%arg11 : memref<32xf32, #tpu.memory_space<vmem>>)
      tpu.yield
    }) : () -> ()
    %get3A = arith.constant 0 : index
    %get3A_3 = tpu.vector_load %arg11[%get3A] {strides = array<i32>} : memref<32xf32, #tpu.memory_space<vmem>>, vector<16xf32>,
    %get3A_4 = arith.constant 16 : index
    %get3A_5 = tpu.vector_load %arg11[%get3A_4] {strides = array<i32>} : memref<32xf32, #tpu.memory_space<vmem>>, vector<16xf32>,
    %broadcast_in_dim3A = arith.constant 9.600000e+01 : f32
    %broadcast_in_dim3A_6 = vector.broadcast %broadcast_in_dim3A : f32 to vector<16xf32>
    %broadcast_in_dim3A_7 = arith.constant -2147483648 : i32
    %broadcast_in_dim3A_8 = vector.broadcast %broadcast_in_dim3A_7 : i32 to vector<16xi32>
    %add3A_9 = arith.constant 0 : i32
    %add3A_10 = arith.addi %mul3A_2, %add3A_9 : i32
    %dma_start3A = tpu.memref_slice %arg2[%add3A_10] : memref<16777216xf32, #tpu.memory_space<hbm>> -> memref<8192xf32, #tpu.memory_space<hbm>>
    %dma_start3A_11 = tpu.memref_slice %arg2[%add3A_10] : memref<16777216xf32, #tpu.memory_space<hbm>> -> memref<8192xf32, #tpu.memory_space<hbm>>
    tpu.enqueue_dma source(%dma_start3A_11 : memref<8192xf32, #tpu.memory_space<hbm>>) target(%arg6 : memref<8192xf32, #tpu.memory_space<vmem>>) target_semaphore(%arg12 : memref<!tpu.dma_semaphore, #tpu.memory_space<semaphore_mem>>)
    %add3A_12 = arith.constant 8192 : i32
    %add3A_13 = arith.addi %mul3A_2, %add3A_12 : i32
    %dma_start3A_14 = tpu.memref_slice %arg2[%add3A_13] : memref<16777216xf32, #tpu.memory_space<hbm>> -> memref<8192xf32, #tpu.memory_space<hbm>>
    %dma_start3A_15 = tpu.memref_slice %arg2[%add3A_13] : memref<16777216xf32, #tpu.memory_space<hbm>> -> memref<8192xf32, #tpu.memory_space<hbm>>
    tpu.enqueue_dma source(%dma_start3A_15 : memref<8192xf32, #tpu.memory_space<hbm>>) target(%arg7 : memref<8192xf32, #tpu.memory_space<vmem>>) target_semaphore(%arg13 : memref<!tpu.dma_semaphore, #tpu.memory_space<semaphore_mem>>)
    %scan3A = arith.constant 0 : i32
    %scan3A_16 = arith.constant 0 : i32
    %scan3A_17 = arith.constant 32 : i32
    %scan3A_18 = arith.addi %scan3A_16, %scan3A_17 : i32
    %scan3A_19 = arith.constant 1 : i32
    scf.for %scan3A_28 = %scan3A_16 to %scan3A_18 step %scan3A_19  : i32 {
      %mul3A_29 = arith.constant 2 : i32
      %mul3A_30 = arith.muli %scan3A_28, %mul3A_29 : i32
      %add3A_31 = arith.constant 0 : i32
      %add3A_32 = arith.addi %mul3A_30, %add3A_31 : i32
      %mul3A_33 = arith.constant 8192 : i32
      %mul3A_34 = arith.muli %add3A_32, %mul3A_33 : i32
      %add3A_35 = arith.addi %mul3A_2, %mul3A_34 : i32
      %dma_wait3A_36 = tpu.memref_slice %arg2[%add3A_35] : memref<16777216xf32, #tpu.memory_space<hbm>> -> memref<8192xf32, #tpu.memory_space<hbm>>
      %dma_wait3A_37 = tpu.memref_slice %arg2[%add3A_35] : memref<16777216xf32, #tpu.memory_space<hbm>> -> memref<8192xf32, #tpu.memory_space<hbm>>
      tpu.wait_dma2 semaphore(%arg12 : memref<!tpu.dma_semaphore, #tpu.memory_space<semaphore_mem>>) src(%dma_wait3A_37 : memref<8192xf32, #tpu.memory_space<hbm>>) dst(%arg6 : memref<8192xf32, #tpu.memory_space<vmem>>)
      %gt3A = arith.constant 0 : i32
      %gt3A_38 = arith.cmpi sgt, %scan3A_28, %gt3A : i32
      %convert_element_type3A = arith.extui %gt3A_38 : i1 to i32
      %cond3A = arith.constant 0 : i32
      %cond3A_39 = arith.cmpi ne, %convert_element_type3A, %cond3A : i32
      scf.if %cond3A_39 {
        %dma_wait3A_83 = tpu.memref_slice %arg5[%add3A_35] : memref<16777216xf32, #tpu.memory_space<hbm>> -> memref<8192xf32, #tpu.memory_space<hbm>>
        %dma_wait3A_84 = tpu.memref_slice %arg5[%add3A_35] : memref<16777216xf32, #tpu.memory_space<hbm>> -> memref<8192xf32, #tpu.memory_space<hbm>>
        tpu.wait_dma2 semaphore(%arg14 : memref<!tpu.dma_semaphore, #tpu.memory_space<semaphore_mem>>) src(%arg8 : memref<8192xf32, #tpu.memory_space<vmem>>) dst(%dma_wait3A_84 : memref<8192xf32, #tpu.memory_space<hbm>>)
      } else {
      }
      %scan3A_40 = arith.constant 0 : i32
      %scan3A_41 = arith.constant 0 : i32
      %scan3A_42 = arith.constant 512 : i32
      %scan3A_43 = arith.addi %scan3A_41, %scan3A_42 : i32
      %scan3A_44 = arith.constant 8 : i32
      scf.for %scan3A_83 = %scan3A_41 to %scan3A_43 step %scan3A_44  : i32 {
        %mul3A_84 = arith.constant 16 : i32
        %mul3A_85 = arith.muli %scan3A_83, %mul3A_84 : i32
        %get3A_86 = arith.index_cast %mul3A_85 : i32 to index
        %get3A_87 = tpu.vector_load %arg6[%get3A_86] {strides = array<i32>} : memref<8192xf32, #tpu.memory_space<vmem>>, vector<16xf32>,
        %mul3A_88 = arith.mulf %get3A_87, %get3A_3 : vector<16xf32>
        %add3A_89 = arith.addf %mul3A_88, %get3A_5 : vector<16xf32>
        %abs3A = math.absf %add3A_89 : vector<16xf32>
        %min3A = arith.minimumf %abs3A, %broadcast_in_dim3A_6 : vector<16xf32>
        %convert_element_type3A_90 = arith.fptosi %min3A : vector<16xf32> to vector<16xi32>
        %gather3A = tpu.vector_load_idx %arg10[%convert_element_type3A_90] : memref<112xf32, #tpu.memory_space<vmem>>[vector<16xi32>], vector<16xf32>,
        %bitcast_convert_type3A = tpu.bitcast %get3A_87 : vector<16xf32> -> vector<16xi32>
        %bitcast_convert_type3A_91 = tpu.bitcast %gather3A : vector<16xf32> -> vector<16xi32>
        %and3A = arith.andi %bitcast_convert_type3A, %broadcast_in_dim3A_8 : vector<16xi32>
        %or3A = arith.ori %bitcast_convert_type3A_91, %and3A : vector<16xi32>
        %bitcast_convert_type3A_92 = tpu.bitcast %or3A : vector<16xi32> -> vector<16xf32>
        %mul3A_93 = arith.constant 16 : i32
        %mul3A_94 = arith.muli %scan3A_83, %mul3A_93 : i32
        %swap3A = arith.index_cast %mul3A_94 : i32 to index
        %swap3A_95 = tpu.vector_load %arg8[%swap3A] {strides = array<i32>} : memref<8192xf32, #tpu.memory_space<vmem>>, vector<16xf32>,
        tpu.vector_store %arg8[%swap3A], %bitcast_convert_type3A_92 {strides = array<i32>} : memref<8192xf32, #tpu.memory_space<vmem>>, vector<16xf32>,
        %scan3A_96 = arith.constant 1 : i32
        %scan3A_97 = arith.addi %scan3A_83, %scan3A_96 : i32
        %mul3A_98 = arith.constant 16 : i32
        %mul3A_99 = arith.muli %scan3A_97, %mul3A_98 : i32
        %get3A_100 = arith.index_cast %mul3A_99 : i32 to index
        %get3A_101 = tpu.vector_load %arg6[%get3A_100] {strides = array<i32>} : memref<8192xf32, #tpu.memory_space<vmem>>, vector<16xf32>,
        %mul3A_102 = arith.mulf %get3A_101, %get3A_3 : vector<16xf32>
        %add3A_103 = arith.addf %mul3A_102, %get3A_5 : vector<16xf32>
        %abs3A_104 = math.absf %add3A_103 : vector<16xf32>
        %min3A_105 = arith.minimumf %abs3A_104, %broadcast_in_dim3A_6 : vector<16xf32>
        %convert_element_type3A_106 = arith.fptosi %min3A_105 : vector<16xf32> to vector<16xi32>
        %gather3A_107 = tpu.vector_load_idx %arg10[%convert_element_type3A_106] : memref<112xf32, #tpu.memory_space<vmem>>[vector<16xi32>], vector<16xf32>,
        %bitcast_convert_type3A_108 = tpu.bitcast %get3A_101 : vector<16xf32> -> vector<16xi32>
        %bitcast_convert_type3A_109 = tpu.bitcast %gather3A_107 : vector<16xf32> -> vector<16xi32>
        %and3A_110 = arith.andi %bitcast_convert_type3A_108, %broadcast_in_dim3A_8 : vector<16xi32>
        %or3A_111 = arith.ori %bitcast_convert_type3A_109, %and3A_110 : vector<16xi32>
        %bitcast_convert_type3A_112 = tpu.bitcast %or3A_111 : vector<16xi32> -> vector<16xf32>
        %mul3A_113 = arith.constant 16 : i32
        %mul3A_114 = arith.muli %scan3A_97, %mul3A_113 : i32
        %swap3A_115 = arith.index_cast %mul3A_114 : i32 to index
        %swap3A_116 = tpu.vector_load %arg8[%swap3A_115] {strides = array<i32>} : memref<8192xf32, #tpu.memory_space<vmem>>, vector<16xf32>,
        tpu.vector_store %arg8[%swap3A_115], %bitcast_convert_type3A_112 {strides = array<i32>} : memref<8192xf32, #tpu.memory_space<vmem>>, vector<16xf32>,
        %scan3A_117 = arith.constant 2 : i32
        %scan3A_118 = arith.addi %scan3A_83, %scan3A_117 : i32
        %mul3A_119 = arith.constant 16 : i32
        %mul3A_120 = arith.muli %scan3A_118, %mul3A_119 : i32
        %get3A_121 = arith.index_cast %mul3A_120 : i32 to index
        %get3A_122 = tpu.vector_load %arg6[%get3A_121] {strides = array<i32>} : memref<8192xf32, #tpu.memory_space<vmem>>, vector<16xf32>,
        %mul3A_123 = arith.mulf %get3A_122, %get3A_3 : vector<16xf32>
        %add3A_124 = arith.addf %mul3A_123, %get3A_5 : vector<16xf32>
        %abs3A_125 = math.absf %add3A_124 : vector<16xf32>
        %min3A_126 = arith.minimumf %abs3A_125, %broadcast_in_dim3A_6 : vector<16xf32>
        %convert_element_type3A_127 = arith.fptosi %min3A_126 : vector<16xf32> to vector<16xi32>
        %gather3A_128 = tpu.vector_load_idx %arg10[%convert_element_type3A_127] : memref<112xf32, #tpu.memory_space<vmem>>[vector<16xi32>], vector<16xf32>,
        %bitcast_convert_type3A_129 = tpu.bitcast %get3A_122 : vector<16xf32> -> vector<16xi32>
        %bitcast_convert_type3A_130 = tpu.bitcast %gather3A_128 : vector<16xf32> -> vector<16xi32>
        %and3A_131 = arith.andi %bitcast_convert_type3A_129, %broadcast_in_dim3A_8 : vector<16xi32>
        %or3A_132 = arith.ori %bitcast_convert_type3A_130, %and3A_131 : vector<16xi32>
        %bitcast_convert_type3A_133 = tpu.bitcast %or3A_132 : vector<16xi32> -> vector<16xf32>
        %mul3A_134 = arith.constant 16 : i32
        %mul3A_135 = arith.muli %scan3A_118, %mul3A_134 : i32
        %swap3A_136 = arith.index_cast %mul3A_135 : i32 to index
        %swap3A_137 = tpu.vector_load %arg8[%swap3A_136] {strides = array<i32>} : memref<8192xf32, #tpu.memory_space<vmem>>, vector<16xf32>,
        tpu.vector_store %arg8[%swap3A_136], %bitcast_convert_type3A_133 {strides = array<i32>} : memref<8192xf32, #tpu.memory_space<vmem>>, vector<16xf32>,
        %scan3A_138 = arith.constant 3 : i32
        %scan3A_139 = arith.addi %scan3A_83, %scan3A_138 : i32
        %mul3A_140 = arith.constant 16 : i32
        %mul3A_141 = arith.muli %scan3A_139, %mul3A_140 : i32
        %get3A_142 = arith.index_cast %mul3A_141 : i32 to index
        %get3A_143 = tpu.vector_load %arg6[%get3A_142] {strides = array<i32>} : memref<8192xf32, #tpu.memory_space<vmem>>, vector<16xf32>,
        %mul3A_144 = arith.mulf %get3A_143, %get3A_3 : vector<16xf32>
        %add3A_145 = arith.addf %mul3A_144, %get3A_5 : vector<16xf32>
        %abs3A_146 = math.absf %add3A_145 : vector<16xf32>
        %min3A_147 = arith.minimumf %abs3A_146, %broadcast_in_dim3A_6 : vector<16xf32>
        %convert_element_type3A_148 = arith.fptosi %min3A_147 : vector<16xf32> to vector<16xi32>
        %gather3A_149 = tpu.vector_load_idx %arg10[%convert_element_type3A_148] : memref<112xf32, #tpu.memory_space<vmem>>[vector<16xi32>], vector<16xf32>,
        %bitcast_convert_type3A_150 = tpu.bitcast %get3A_143 : vector<16xf32> -> vector<16xi32>
        %bitcast_convert_type3A_151 = tpu.bitcast %gather3A_149 : vector<16xf32> -> vector<16xi32>
        %and3A_152 = arith.andi %bitcast_convert_type3A_150, %broadcast_in_dim3A_8 : vector<16xi32>
        %or3A_153 = arith.ori %bitcast_convert_type3A_151, %and3A_152 : vector<16xi32>
        %bitcast_convert_type3A_154 = tpu.bitcast %or3A_153 : vector<16xi32> -> vector<16xf32>
        %mul3A_155 = arith.constant 16 : i32
        %mul3A_156 = arith.muli %scan3A_139, %mul3A_155 : i32
        %swap3A_157 = arith.index_cast %mul3A_156 : i32 to index
        %swap3A_158 = tpu.vector_load %arg8[%swap3A_157] {strides = array<i32>} : memref<8192xf32, #tpu.memory_space<vmem>>, vector<16xf32>,
        tpu.vector_store %arg8[%swap3A_157], %bitcast_convert_type3A_154 {strides = array<i32>} : memref<8192xf32, #tpu.memory_space<vmem>>, vector<16xf32>,
        %scan3A_159 = arith.constant 4 : i32
        %scan3A_160 = arith.addi %scan3A_83, %scan3A_159 : i32
        %mul3A_161 = arith.constant 16 : i32
        %mul3A_162 = arith.muli %scan3A_160, %mul3A_161 : i32
        %get3A_163 = arith.index_cast %mul3A_162 : i32 to index
        %get3A_164 = tpu.vector_load %arg6[%get3A_163] {strides = array<i32>} : memref<8192xf32, #tpu.memory_space<vmem>>, vector<16xf32>,
        %mul3A_165 = arith.mulf %get3A_164, %get3A_3 : vector<16xf32>
        %add3A_166 = arith.addf %mul3A_165, %get3A_5 : vector<16xf32>
        %abs3A_167 = math.absf %add3A_166 : vector<16xf32>
        %min3A_168 = arith.minimumf %abs3A_167, %broadcast_in_dim3A_6 : vector<16xf32>
        %convert_element_type3A_169 = arith.fptosi %min3A_168 : vector<16xf32> to vector<16xi32>
        %gather3A_170 = tpu.vector_load_idx %arg10[%convert_element_type3A_169] : memref<112xf32, #tpu.memory_space<vmem>>[vector<16xi32>], vector<16xf32>,
        %bitcast_convert_type3A_171 = tpu.bitcast %get3A_164 : vector<16xf32> -> vector<16xi32>
        %bitcast_convert_type3A_172 = tpu.bitcast %gather3A_170 : vector<16xf32> -> vector<16xi32>
        %and3A_173 = arith.andi %bitcast_convert_type3A_171, %broadcast_in_dim3A_8 : vector<16xi32>
        %or3A_174 = arith.ori %bitcast_convert_type3A_172, %and3A_173 : vector<16xi32>
        %bitcast_convert_type3A_175 = tpu.bitcast %or3A_174 : vector<16xi32> -> vector<16xf32>
        %mul3A_176 = arith.constant 16 : i32
        %mul3A_177 = arith.muli %scan3A_160, %mul3A_176 : i32
        %swap3A_178 = arith.index_cast %mul3A_177 : i32 to index
        %swap3A_179 = tpu.vector_load %arg8[%swap3A_178] {strides = array<i32>} : memref<8192xf32, #tpu.memory_space<vmem>>, vector<16xf32>,
        tpu.vector_store %arg8[%swap3A_178], %bitcast_convert_type3A_175 {strides = array<i32>} : memref<8192xf32, #tpu.memory_space<vmem>>, vector<16xf32>,
        %scan3A_180 = arith.constant 5 : i32
        %scan3A_181 = arith.addi %scan3A_83, %scan3A_180 : i32
        %mul3A_182 = arith.constant 16 : i32
        %mul3A_183 = arith.muli %scan3A_181, %mul3A_182 : i32
        %get3A_184 = arith.index_cast %mul3A_183 : i32 to index
        %get3A_185 = tpu.vector_load %arg6[%get3A_184] {strides = array<i32>} : memref<8192xf32, #tpu.memory_space<vmem>>, vector<16xf32>,
        %mul3A_186 = arith.mulf %get3A_185, %get3A_3 : vector<16xf32>
        %add3A_187 = arith.addf %mul3A_186, %get3A_5 : vector<16xf32>
        %abs3A_188 = math.absf %add3A_187 : vector<16xf32>
        %min3A_189 = arith.minimumf %abs3A_188, %broadcast_in_dim3A_6 : vector<16xf32>
        %convert_element_type3A_190 = arith.fptosi %min3A_189 : vector<16xf32> to vector<16xi32>
        %gather3A_191 = tpu.vector_load_idx %arg10[%convert_element_type3A_190] : memref<112xf32, #tpu.memory_space<vmem>>[vector<16xi32>], vector<16xf32>,
        %bitcast_convert_type3A_192 = tpu.bitcast %get3A_185 : vector<16xf32> -> vector<16xi32>
        %bitcast_convert_type3A_193 = tpu.bitcast %gather3A_191 : vector<16xf32> -> vector<16xi32>
        %and3A_194 = arith.andi %bitcast_convert_type3A_192, %broadcast_in_dim3A_8 : vector<16xi32>
        %or3A_195 = arith.ori %bitcast_convert_type3A_193, %and3A_194 : vector<16xi32>
        %bitcast_convert_type3A_196 = tpu.bitcast %or3A_195 : vector<16xi32> -> vector<16xf32>
        %mul3A_197 = arith.constant 16 : i32
        %mul3A_198 = arith.muli %scan3A_181, %mul3A_197 : i32
        %swap3A_199 = arith.index_cast %mul3A_198 : i32 to index
        %swap3A_200 = tpu.vector_load %arg8[%swap3A_199] {strides = array<i32>} : memref<8192xf32, #tpu.memory_space<vmem>>, vector<16xf32>,
        tpu.vector_store %arg8[%swap3A_199], %bitcast_convert_type3A_196 {strides = array<i32>} : memref<8192xf32, #tpu.memory_space<vmem>>, vector<16xf32>,
        %scan3A_201 = arith.constant 6 : i32
        %scan3A_202 = arith.addi %scan3A_83, %scan3A_201 : i32
        %mul3A_203 = arith.constant 16 : i32
        %mul3A_204 = arith.muli %scan3A_202, %mul3A_203 : i32
        %get3A_205 = arith.index_cast %mul3A_204 : i32 to index
        %get3A_206 = tpu.vector_load %arg6[%get3A_205] {strides = array<i32>} : memref<8192xf32, #tpu.memory_space<vmem>>, vector<16xf32>,
        %mul3A_207 = arith.mulf %get3A_206, %get3A_3 : vector<16xf32>
        %add3A_208 = arith.addf %mul3A_207, %get3A_5 : vector<16xf32>
        %abs3A_209 = math.absf %add3A_208 : vector<16xf32>
        %min3A_210 = arith.minimumf %abs3A_209, %broadcast_in_dim3A_6 : vector<16xf32>
        %convert_element_type3A_211 = arith.fptosi %min3A_210 : vector<16xf32> to vector<16xi32>
        %gather3A_212 = tpu.vector_load_idx %arg10[%convert_element_type3A_211] : memref<112xf32, #tpu.memory_space<vmem>>[vector<16xi32>], vector<16xf32>,
        %bitcast_convert_type3A_213 = tpu.bitcast %get3A_206 : vector<16xf32> -> vector<16xi32>
        %bitcast_convert_type3A_214 = tpu.bitcast %gather3A_212 : vector<16xf32> -> vector<16xi32>
        %and3A_215 = arith.andi %bitcast_convert_type3A_213, %broadcast_in_dim3A_8 : vector<16xi32>
        %or3A_216 = arith.ori %bitcast_convert_type3A_214, %and3A_215 : vector<16xi32>
        %bitcast_convert_type3A_217 = tpu.bitcast %or3A_216 : vector<16xi32> -> vector<16xf32>
        %mul3A_218 = arith.constant 16 : i32
        %mul3A_219 = arith.muli %scan3A_202, %mul3A_218 : i32
        %swap3A_220 = arith.index_cast %mul3A_219 : i32 to index
        %swap3A_221 = tpu.vector_load %arg8[%swap3A_220] {strides = array<i32>} : memref<8192xf32, #tpu.memory_space<vmem>>, vector<16xf32>,
        tpu.vector_store %arg8[%swap3A_220], %bitcast_convert_type3A_217 {strides = array<i32>} : memref<8192xf32, #tpu.memory_space<vmem>>, vector<16xf32>,
        %scan3A_222 = arith.constant 7 : i32
        %scan3A_223 = arith.addi %scan3A_83, %scan3A_222 : i32
        %mul3A_224 = arith.constant 16 : i32
        %mul3A_225 = arith.muli %scan3A_223, %mul3A_224 : i32
        %get3A_226 = arith.index_cast %mul3A_225 : i32 to index
        %get3A_227 = tpu.vector_load %arg6[%get3A_226] {strides = array<i32>} : memref<8192xf32, #tpu.memory_space<vmem>>, vector<16xf32>,
        %mul3A_228 = arith.mulf %get3A_227, %get3A_3 : vector<16xf32>
        %add3A_229 = arith.addf %mul3A_228, %get3A_5 : vector<16xf32>
        %abs3A_230 = math.absf %add3A_229 : vector<16xf32>
        %min3A_231 = arith.minimumf %abs3A_230, %broadcast_in_dim3A_6 : vector<16xf32>
        %convert_element_type3A_232 = arith.fptosi %min3A_231 : vector<16xf32> to vector<16xi32>
        %gather3A_233 = tpu.vector_load_idx %arg10[%convert_element_type3A_232] : memref<112xf32, #tpu.memory_space<vmem>>[vector<16xi32>], vector<16xf32>,
        %bitcast_convert_type3A_234 = tpu.bitcast %get3A_227 : vector<16xf32> -> vector<16xi32>
        %bitcast_convert_type3A_235 = tpu.bitcast %gather3A_233 : vector<16xf32> -> vector<16xi32>
        %and3A_236 = arith.andi %bitcast_convert_type3A_234, %broadcast_in_dim3A_8 : vector<16xi32>
        %or3A_237 = arith.ori %bitcast_convert_type3A_235, %and3A_236 : vector<16xi32>
        %bitcast_convert_type3A_238 = tpu.bitcast %or3A_237 : vector<16xi32> -> vector<16xf32>
        %mul3A_239 = arith.constant 16 : i32
        %mul3A_240 = arith.muli %scan3A_223, %mul3A_239 : i32
        %swap3A_241 = arith.index_cast %mul3A_240 : i32 to index
        %swap3A_242 = tpu.vector_load %arg8[%swap3A_241] {strides = array<i32>} : memref<8192xf32, #tpu.memory_space<vmem>>, vector<16xf32>,
        tpu.vector_store %arg8[%swap3A_241], %bitcast_convert_type3A_238 {strides = array<i32>} : memref<8192xf32, #tpu.memory_space<vmem>>, vector<16xf32>,
      }
      %scan3A_45 = arith.constant 512 : i32
      %dma_start3A_46 = tpu.memref_slice %arg5[%add3A_35] : memref<16777216xf32, #tpu.memory_space<hbm>> -> memref<8192xf32, #tpu.memory_space<hbm>>
      %dma_start3A_47 = tpu.memref_slice %arg5[%add3A_35] : memref<16777216xf32, #tpu.memory_space<hbm>> -> memref<8192xf32, #tpu.memory_space<hbm>>
      tpu.enqueue_dma source(%arg8 : memref<8192xf32, #tpu.memory_space<vmem>>) target(%dma_start3A_47 : memref<8192xf32, #tpu.memory_space<hbm>>) target_semaphore(%arg14 : memref<!tpu.dma_semaphore, #tpu.memory_space<semaphore_mem>>)
      %add3A_48 = arith.constant 1 : i32
      %add3A_49 = arith.addi %scan3A_28, %add3A_48 : i32
      %lt3A = arith.constant 32 : i32
      %lt3A_50 = arith.cmpi slt, %add3A_49, %lt3A : i32
      %convert_element_type3A_51 = arith.extui %lt3A_50 : i1 to i32
      %cond3A_52 = arith.constant 0 : i32
      %cond3A_53 = arith.cmpi ne, %convert_element_type3A_51, %cond3A_52 : i32
      scf.if %cond3A_53 {
        %add3A_83 = arith.constant 2 : i32
        %add3A_84 = arith.addi %add3A_32, %add3A_83 : i32
        %mul3A_85 = arith.constant 8192 : i32
        %mul3A_86 = arith.muli %add3A_84, %mul3A_85 : i32
        %add3A_87 = arith.addi %mul3A_2, %mul3A_86 : i32
        %dma_start3A_88 = tpu.memref_slice %arg2[%add3A_87] : memref<16777216xf32, #tpu.memory_space<hbm>> -> memref<8192xf32, #tpu.memory_space<hbm>>
        %dma_start3A_89 = tpu.memref_slice %arg2[%add3A_87] : memref<16777216xf32, #tpu.memory_space<hbm>> -> memref<8192xf32, #tpu.memory_space<hbm>>
        tpu.enqueue_dma source(%dma_start3A_89 : memref<8192xf32, #tpu.memory_space<hbm>>) target(%arg6 : memref<8192xf32, #tpu.memory_space<vmem>>) target_semaphore(%arg12 : memref<!tpu.dma_semaphore, #tpu.memory_space<semaphore_mem>>)
      } else {
      }
      %mul3A_54 = arith.constant 2 : i32
      %mul3A_55 = arith.muli %scan3A_28, %mul3A_54 : i32
      %add3A_56 = arith.constant 1 : i32
      %add3A_57 = arith.addi %mul3A_55, %add3A_56 : i32
      %mul3A_58 = arith.constant 8192 : i32
      %mul3A_59 = arith.muli %add3A_57, %mul3A_58 : i32
      %add3A_60 = arith.addi %mul3A_2, %mul3A_59 : i32
      %dma_wait3A_61 = tpu.memref_slice %arg2[%add3A_60] : memref<16777216xf32, #tpu.memory_space<hbm>> -> memref<8192xf32, #tpu.memory_space<hbm>>
      %dma_wait3A_62 = tpu.memref_slice %arg2[%add3A_60] : memref<16777216xf32, #tpu.memory_space<hbm>> -> memref<8192xf32, #tpu.memory_space<hbm>>
      tpu.wait_dma2 semaphore(%arg13 : memref<!tpu.dma_semaphore, #tpu.memory_space<semaphore_mem>>) src(%dma_wait3A_62 : memref<8192xf32, #tpu.memory_space<hbm>>) dst(%arg7 : memref<8192xf32, #tpu.memory_space<vmem>>)
      %gt3A_63 = arith.constant 0 : i32
      %gt3A_64 = arith.cmpi sgt, %scan3A_28, %gt3A_63 : i32
      %convert_element_type3A_65 = arith.extui %gt3A_64 : i1 to i32
      %cond3A_66 = arith.constant 0 : i32
      %cond3A_67 = arith.cmpi ne, %convert_element_type3A_65, %cond3A_66 : i32
      scf.if %cond3A_67 {
        %dma_wait3A_83 = tpu.memref_slice %arg5[%add3A_60] : memref<16777216xf32, #tpu.memory_space<hbm>> -> memref<8192xf32, #tpu.memory_space<hbm>>
        %dma_wait3A_84 = tpu.memref_slice %arg5[%add3A_60] : memref<16777216xf32, #tpu.memory_space<hbm>> -> memref<8192xf32, #tpu.memory_space<hbm>>
        tpu.wait_dma2 semaphore(%arg15 : memref<!tpu.dma_semaphore, #tpu.memory_space<semaphore_mem>>) src(%arg9 : memref<8192xf32, #tpu.memory_space<vmem>>) dst(%dma_wait3A_84 : memref<8192xf32, #tpu.memory_space<hbm>>)
      } else {
      }
      %scan3A_68 = arith.constant 0 : i32
      %scan3A_69 = arith.constant 0 : i32
      %scan3A_70 = arith.constant 512 : i32
      %scan3A_71 = arith.addi %scan3A_69, %scan3A_70 : i32
      %scan3A_72 = arith.constant 8 : i32
      scf.for %scan3A_83 = %scan3A_69 to %scan3A_71 step %scan3A_72  : i32 {
        %mul3A_84 = arith.constant 16 : i32
        %mul3A_85 = arith.muli %scan3A_83, %mul3A_84 : i32
        %get3A_86 = arith.index_cast %mul3A_85 : i32 to index
        %get3A_87 = tpu.vector_load %arg7[%get3A_86] {strides = array<i32>} : memref<8192xf32, #tpu.memory_space<vmem>>, vector<16xf32>,
        %mul3A_88 = arith.mulf %get3A_87, %get3A_3 : vector<16xf32>
        %add3A_89 = arith.addf %mul3A_88, %get3A_5 : vector<16xf32>
        %abs3A = math.absf %add3A_89 : vector<16xf32>
        %min3A = arith.minimumf %abs3A, %broadcast_in_dim3A_6 : vector<16xf32>
        %convert_element_type3A_90 = arith.fptosi %min3A : vector<16xf32> to vector<16xi32>
        %gather3A = tpu.vector_load_idx %arg10[%convert_element_type3A_90] : memref<112xf32, #tpu.memory_space<vmem>>[vector<16xi32>], vector<16xf32>,
        %bitcast_convert_type3A = tpu.bitcast %get3A_87 : vector<16xf32> -> vector<16xi32>
        %bitcast_convert_type3A_91 = tpu.bitcast %gather3A : vector<16xf32> -> vector<16xi32>
        %and3A = arith.andi %bitcast_convert_type3A, %broadcast_in_dim3A_8 : vector<16xi32>
        %or3A = arith.ori %bitcast_convert_type3A_91, %and3A : vector<16xi32>
        %bitcast_convert_type3A_92 = tpu.bitcast %or3A : vector<16xi32> -> vector<16xf32>
        %mul3A_93 = arith.constant 16 : i32
        %mul3A_94 = arith.muli %scan3A_83, %mul3A_93 : i32
        %swap3A = arith.index_cast %mul3A_94 : i32 to index
        %swap3A_95 = tpu.vector_load %arg9[%swap3A] {strides = array<i32>} : memref<8192xf32, #tpu.memory_space<vmem>>, vector<16xf32>,
        tpu.vector_store %arg9[%swap3A], %bitcast_convert_type3A_92 {strides = array<i32>} : memref<8192xf32, #tpu.memory_space<vmem>>, vector<16xf32>,
        %scan3A_96 = arith.constant 1 : i32
        %scan3A_97 = arith.addi %scan3A_83, %scan3A_96 : i32
        %mul3A_98 = arith.constant 16 : i32
        %mul3A_99 = arith.muli %scan3A_97, %mul3A_98 : i32
        %get3A_100 = arith.index_cast %mul3A_99 : i32 to index
        %get3A_101 = tpu.vector_load %arg7[%get3A_100] {strides = array<i32>} : memref<8192xf32, #tpu.memory_space<vmem>>, vector<16xf32>,
        %mul3A_102 = arith.mulf %get3A_101, %get3A_3 : vector<16xf32>
        %add3A_103 = arith.addf %mul3A_102, %get3A_5 : vector<16xf32>
        %abs3A_104 = math.absf %add3A_103 : vector<16xf32>
        %min3A_105 = arith.minimumf %abs3A_104, %broadcast_in_dim3A_6 : vector<16xf32>
        %convert_element_type3A_106 = arith.fptosi %min3A_105 : vector<16xf32> to vector<16xi32>
        %gather3A_107 = tpu.vector_load_idx %arg10[%convert_element_type3A_106] : memref<112xf32, #tpu.memory_space<vmem>>[vector<16xi32>], vector<16xf32>,
        %bitcast_convert_type3A_108 = tpu.bitcast %get3A_101 : vector<16xf32> -> vector<16xi32>
        %bitcast_convert_type3A_109 = tpu.bitcast %gather3A_107 : vector<16xf32> -> vector<16xi32>
        %and3A_110 = arith.andi %bitcast_convert_type3A_108, %broadcast_in_dim3A_8 : vector<16xi32>
        %or3A_111 = arith.ori %bitcast_convert_type3A_109, %and3A_110 : vector<16xi32>
        %bitcast_convert_type3A_112 = tpu.bitcast %or3A_111 : vector<16xi32> -> vector<16xf32>
        %mul3A_113 = arith.constant 16 : i32
        %mul3A_114 = arith.muli %scan3A_97, %mul3A_113 : i32
        %swap3A_115 = arith.index_cast %mul3A_114 : i32 to index
        %swap3A_116 = tpu.vector_load %arg9[%swap3A_115] {strides = array<i32>} : memref<8192xf32, #tpu.memory_space<vmem>>, vector<16xf32>,
        tpu.vector_store %arg9[%swap3A_115], %bitcast_convert_type3A_112 {strides = array<i32>} : memref<8192xf32, #tpu.memory_space<vmem>>, vector<16xf32>,
        %scan3A_117 = arith.constant 2 : i32
        %scan3A_118 = arith.addi %scan3A_83, %scan3A_117 : i32
        %mul3A_119 = arith.constant 16 : i32
        %mul3A_120 = arith.muli %scan3A_118, %mul3A_119 : i32
        %get3A_121 = arith.index_cast %mul3A_120 : i32 to index
        %get3A_122 = tpu.vector_load %arg7[%get3A_121] {strides = array<i32>} : memref<8192xf32, #tpu.memory_space<vmem>>, vector<16xf32>,
        %mul3A_123 = arith.mulf %get3A_122, %get3A_3 : vector<16xf32>
        %add3A_124 = arith.addf %mul3A_123, %get3A_5 : vector<16xf32>
        %abs3A_125 = math.absf %add3A_124 : vector<16xf32>
        %min3A_126 = arith.minimumf %abs3A_125, %broadcast_in_dim3A_6 : vector<16xf32>
        %convert_element_type3A_127 = arith.fptosi %min3A_126 : vector<16xf32> to vector<16xi32>
        %gather3A_128 = tpu.vector_load_idx %arg10[%convert_element_type3A_127] : memref<112xf32, #tpu.memory_space<vmem>>[vector<16xi32>], vector<16xf32>,
        %bitcast_convert_type3A_129 = tpu.bitcast %get3A_122 : vector<16xf32> -> vector<16xi32>
        %bitcast_convert_type3A_130 = tpu.bitcast %gather3A_128 : vector<16xf32> -> vector<16xi32>
        %and3A_131 = arith.andi %bitcast_convert_type3A_129, %broadcast_in_dim3A_8 : vector<16xi32>
        %or3A_132 = arith.ori %bitcast_convert_type3A_130, %and3A_131 : vector<16xi32>
        %bitcast_convert_type3A_133 = tpu.bitcast %or3A_132 : vector<16xi32> -> vector<16xf32>
        %mul3A_134 = arith.constant 16 : i32
        %mul3A_135 = arith.muli %scan3A_118, %mul3A_134 : i32
        %swap3A_136 = arith.index_cast %mul3A_135 : i32 to index
        %swap3A_137 = tpu.vector_load %arg9[%swap3A_136] {strides = array<i32>} : memref<8192xf32, #tpu.memory_space<vmem>>, vector<16xf32>,
        tpu.vector_store %arg9[%swap3A_136], %bitcast_convert_type3A_133 {strides = array<i32>} : memref<8192xf32, #tpu.memory_space<vmem>>, vector<16xf32>,
        %scan3A_138 = arith.constant 3 : i32
        %scan3A_139 = arith.addi %scan3A_83, %scan3A_138 : i32
        %mul3A_140 = arith.constant 16 : i32
        %mul3A_141 = arith.muli %scan3A_139, %mul3A_140 : i32
        %get3A_142 = arith.index_cast %mul3A_141 : i32 to index
        %get3A_143 = tpu.vector_load %arg7[%get3A_142] {strides = array<i32>} : memref<8192xf32, #tpu.memory_space<vmem>>, vector<16xf32>,
        %mul3A_144 = arith.mulf %get3A_143, %get3A_3 : vector<16xf32>
        %add3A_145 = arith.addf %mul3A_144, %get3A_5 : vector<16xf32>
        %abs3A_146 = math.absf %add3A_145 : vector<16xf32>
        %min3A_147 = arith.minimumf %abs3A_146, %broadcast_in_dim3A_6 : vector<16xf32>
        %convert_element_type3A_148 = arith.fptosi %min3A_147 : vector<16xf32> to vector<16xi32>
        %gather3A_149 = tpu.vector_load_idx %arg10[%convert_element_type3A_148] : memref<112xf32, #tpu.memory_space<vmem>>[vector<16xi32>], vector<16xf32>,
        %bitcast_convert_type3A_150 = tpu.bitcast %get3A_143 : vector<16xf32> -> vector<16xi32>
        %bitcast_convert_type3A_151 = tpu.bitcast %gather3A_149 : vector<16xf32> -> vector<16xi32>
        %and3A_152 = arith.andi %bitcast_convert_type3A_150, %broadcast_in_dim3A_8 : vector<16xi32>
        %or3A_153 = arith.ori %bitcast_convert_type3A_151, %and3A_152 : vector<16xi32>
        %bitcast_convert_type3A_154 = tpu.bitcast %or3A_153 : vector<16xi32> -> vector<16xf32>
        %mul3A_155 = arith.constant 16 : i32
        %mul3A_156 = arith.muli %scan3A_139, %mul3A_155 : i32
        %swap3A_157 = arith.index_cast %mul3A_156 : i32 to index
        %swap3A_158 = tpu.vector_load %arg9[%swap3A_157] {strides = array<i32>} : memref<8192xf32, #tpu.memory_space<vmem>>, vector<16xf32>,
        tpu.vector_store %arg9[%swap3A_157], %bitcast_convert_type3A_154 {strides = array<i32>} : memref<8192xf32, #tpu.memory_space<vmem>>, vector<16xf32>,
        %scan3A_159 = arith.constant 4 : i32
        %scan3A_160 = arith.addi %scan3A_83, %scan3A_159 : i32
        %mul3A_161 = arith.constant 16 : i32
        %mul3A_162 = arith.muli %scan3A_160, %mul3A_161 : i32
        %get3A_163 = arith.index_cast %mul3A_162 : i32 to index
        %get3A_164 = tpu.vector_load %arg7[%get3A_163] {strides = array<i32>} : memref<8192xf32, #tpu.memory_space<vmem>>, vector<16xf32>,
        %mul3A_165 = arith.mulf %get3A_164, %get3A_3 : vector<16xf32>
        %add3A_166 = arith.addf %mul3A_165, %get3A_5 : vector<16xf32>
        %abs3A_167 = math.absf %add3A_166 : vector<16xf32>
        %min3A_168 = arith.minimumf %abs3A_167, %broadcast_in_dim3A_6 : vector<16xf32>
        %convert_element_type3A_169 = arith.fptosi %min3A_168 : vector<16xf32> to vector<16xi32>
        %gather3A_170 = tpu.vector_load_idx %arg10[%convert_element_type3A_169] : memref<112xf32, #tpu.memory_space<vmem>>[vector<16xi32>], vector<16xf32>,
        %bitcast_convert_type3A_171 = tpu.bitcast %get3A_164 : vector<16xf32> -> vector<16xi32>
        %bitcast_convert_type3A_172 = tpu.bitcast %gather3A_170 : vector<16xf32> -> vector<16xi32>
        %and3A_173 = arith.andi %bitcast_convert_type3A_171, %broadcast_in_dim3A_8 : vector<16xi32>
        %or3A_174 = arith.ori %bitcast_convert_type3A_172, %and3A_173 : vector<16xi32>
        %bitcast_convert_type3A_175 = tpu.bitcast %or3A_174 : vector<16xi32> -> vector<16xf32>
        %mul3A_176 = arith.constant 16 : i32
        %mul3A_177 = arith.muli %scan3A_160, %mul3A_176 : i32
        %swap3A_178 = arith.index_cast %mul3A_177 : i32 to index
        %swap3A_179 = tpu.vector_load %arg9[%swap3A_178] {strides = array<i32>} : memref<8192xf32, #tpu.memory_space<vmem>>, vector<16xf32>,
        tpu.vector_store %arg9[%swap3A_178], %bitcast_convert_type3A_175 {strides = array<i32>} : memref<8192xf32, #tpu.memory_space<vmem>>, vector<16xf32>,
        %scan3A_180 = arith.constant 5 : i32
        %scan3A_181 = arith.addi %scan3A_83, %scan3A_180 : i32
        %mul3A_182 = arith.constant 16 : i32
        %mul3A_183 = arith.muli %scan3A_181, %mul3A_182 : i32
        %get3A_184 = arith.index_cast %mul3A_183 : i32 to index
        %get3A_185 = tpu.vector_load %arg7[%get3A_184] {strides = array<i32>} : memref<8192xf32, #tpu.memory_space<vmem>>, vector<16xf32>,
        %mul3A_186 = arith.mulf %get3A_185, %get3A_3 : vector<16xf32>
        %add3A_187 = arith.addf %mul3A_186, %get3A_5 : vector<16xf32>
        %abs3A_188 = math.absf %add3A_187 : vector<16xf32>
        %min3A_189 = arith.minimumf %abs3A_188, %broadcast_in_dim3A_6 : vector<16xf32>
        %convert_element_type3A_190 = arith.fptosi %min3A_189 : vector<16xf32> to vector<16xi32>
        %gather3A_191 = tpu.vector_load_idx %arg10[%convert_element_type3A_190] : memref<112xf32, #tpu.memory_space<vmem>>[vector<16xi32>], vector<16xf32>,
        %bitcast_convert_type3A_192 = tpu.bitcast %get3A_185 : vector<16xf32> -> vector<16xi32>
        %bitcast_convert_type3A_193 = tpu.bitcast %gather3A_191 : vector<16xf32> -> vector<16xi32>
        %and3A_194 = arith.andi %bitcast_convert_type3A_192, %broadcast_in_dim3A_8 : vector<16xi32>
        %or3A_195 = arith.ori %bitcast_convert_type3A_193, %and3A_194 : vector<16xi32>
        %bitcast_convert_type3A_196 = tpu.bitcast %or3A_195 : vector<16xi32> -> vector<16xf32>
        %mul3A_197 = arith.constant 16 : i32
        %mul3A_198 = arith.muli %scan3A_181, %mul3A_197 : i32
        %swap3A_199 = arith.index_cast %mul3A_198 : i32 to index
        %swap3A_200 = tpu.vector_load %arg9[%swap3A_199] {strides = array<i32>} : memref<8192xf32, #tpu.memory_space<vmem>>, vector<16xf32>,
        tpu.vector_store %arg9[%swap3A_199], %bitcast_convert_type3A_196 {strides = array<i32>} : memref<8192xf32, #tpu.memory_space<vmem>>, vector<16xf32>,
        %scan3A_201 = arith.constant 6 : i32
        %scan3A_202 = arith.addi %scan3A_83, %scan3A_201 : i32
        %mul3A_203 = arith.constant 16 : i32
        %mul3A_204 = arith.muli %scan3A_202, %mul3A_203 : i32
        %get3A_205 = arith.index_cast %mul3A_204 : i32 to index
        %get3A_206 = tpu.vector_load %arg7[%get3A_205] {strides = array<i32>} : memref<8192xf32, #tpu.memory_space<vmem>>, vector<16xf32>,
        %mul3A_207 = arith.mulf %get3A_206, %get3A_3 : vector<16xf32>
        %add3A_208 = arith.addf %mul3A_207, %get3A_5 : vector<16xf32>
        %abs3A_209 = math.absf %add3A_208 : vector<16xf32>
        %min3A_210 = arith.minimumf %abs3A_209, %broadcast_in_dim3A_6 : vector<16xf32>
        %convert_element_type3A_211 = arith.fptosi %min3A_210 : vector<16xf32> to vector<16xi32>
        %gather3A_212 = tpu.vector_load_idx %arg10[%convert_element_type3A_211] : memref<112xf32, #tpu.memory_space<vmem>>[vector<16xi32>], vector<16xf32>,
        %bitcast_convert_type3A_213 = tpu.bitcast %get3A_206 : vector<16xf32> -> vector<16xi32>
        %bitcast_convert_type3A_214 = tpu.bitcast %gather3A_212 : vector<16xf32> -> vector<16xi32>
        %and3A_215 = arith.andi %bitcast_convert_type3A_213, %broadcast_in_dim3A_8 : vector<16xi32>
        %or3A_216 = arith.ori %bitcast_convert_type3A_214, %and3A_215 : vector<16xi32>
        %bitcast_convert_type3A_217 = tpu.bitcast %or3A_216 : vector<16xi32> -> vector<16xf32>
        %mul3A_218 = arith.constant 16 : i32
        %mul3A_219 = arith.muli %scan3A_202, %mul3A_218 : i32
        %swap3A_220 = arith.index_cast %mul3A_219 : i32 to index
        %swap3A_221 = tpu.vector_load %arg9[%swap3A_220] {strides = array<i32>} : memref<8192xf32, #tpu.memory_space<vmem>>, vector<16xf32>,
        tpu.vector_store %arg9[%swap3A_220], %bitcast_convert_type3A_217 {strides = array<i32>} : memref<8192xf32, #tpu.memory_space<vmem>>, vector<16xf32>,
        %scan3A_222 = arith.constant 7 : i32
        %scan3A_223 = arith.addi %scan3A_83, %scan3A_222 : i32
        %mul3A_224 = arith.constant 16 : i32
        %mul3A_225 = arith.muli %scan3A_223, %mul3A_224 : i32
        %get3A_226 = arith.index_cast %mul3A_225 : i32 to index
        %get3A_227 = tpu.vector_load %arg7[%get3A_226] {strides = array<i32>} : memref<8192xf32, #tpu.memory_space<vmem>>, vector<16xf32>,
        %mul3A_228 = arith.mulf %get3A_227, %get3A_3 : vector<16xf32>
        %add3A_229 = arith.addf %mul3A_228, %get3A_5 : vector<16xf32>
        %abs3A_230 = math.absf %add3A_229 : vector<16xf32>
        %min3A_231 = arith.minimumf %abs3A_230, %broadcast_in_dim3A_6 : vector<16xf32>
        %convert_element_type3A_232 = arith.fptosi %min3A_231 : vector<16xf32> to vector<16xi32>
        %gather3A_233 = tpu.vector_load_idx %arg10[%convert_element_type3A_232] : memref<112xf32, #tpu.memory_space<vmem>>[vector<16xi32>], vector<16xf32>,
        %bitcast_convert_type3A_234 = tpu.bitcast %get3A_227 : vector<16xf32> -> vector<16xi32>
        %bitcast_convert_type3A_235 = tpu.bitcast %gather3A_233 : vector<16xf32> -> vector<16xi32>
        %and3A_236 = arith.andi %bitcast_convert_type3A_234, %broadcast_in_dim3A_8 : vector<16xi32>
        %or3A_237 = arith.ori %bitcast_convert_type3A_235, %and3A_236 : vector<16xi32>
        %bitcast_convert_type3A_238 = tpu.bitcast %or3A_237 : vector<16xi32> -> vector<16xf32>
        %mul3A_239 = arith.constant 16 : i32
        %mul3A_240 = arith.muli %scan3A_223, %mul3A_239 : i32
        %swap3A_241 = arith.index_cast %mul3A_240 : i32 to index
        %swap3A_242 = tpu.vector_load %arg9[%swap3A_241] {strides = array<i32>} : memref<8192xf32, #tpu.memory_space<vmem>>, vector<16xf32>,
        tpu.vector_store %arg9[%swap3A_241], %bitcast_convert_type3A_238 {strides = array<i32>} : memref<8192xf32, #tpu.memory_space<vmem>>, vector<16xf32>,
      }
      %scan3A_73 = arith.constant 512 : i32
      %dma_start3A_74 = tpu.memref_slice %arg5[%add3A_60] : memref<16777216xf32, #tpu.memory_space<hbm>> -> memref<8192xf32, #tpu.memory_space<hbm>>
      %dma_start3A_75 = tpu.memref_slice %arg5[%add3A_60] : memref<16777216xf32, #tpu.memory_space<hbm>> -> memref<8192xf32, #tpu.memory_space<hbm>>
      tpu.enqueue_dma source(%arg9 : memref<8192xf32, #tpu.memory_space<vmem>>) target(%dma_start3A_75 : memref<8192xf32, #tpu.memory_space<hbm>>) target_semaphore(%arg15 : memref<!tpu.dma_semaphore, #tpu.memory_space<semaphore_mem>>)
      %add3A_76 = arith.constant 1 : i32
      %add3A_77 = arith.addi %scan3A_28, %add3A_76 : i32
      %lt3A_78 = arith.constant 32 : i32
      %lt3A_79 = arith.cmpi slt, %add3A_77, %lt3A_78 : i32
      %convert_element_type3A_80 = arith.extui %lt3A_79 : i1 to i32
      %cond3A_81 = arith.constant 0 : i32
      %cond3A_82 = arith.cmpi ne, %convert_element_type3A_80, %cond3A_81 : i32
      scf.if %cond3A_82 {
        %add3A_83 = arith.constant 2 : i32
        %add3A_84 = arith.addi %add3A_57, %add3A_83 : i32
        %mul3A_85 = arith.constant 8192 : i32
        %mul3A_86 = arith.muli %add3A_84, %mul3A_85 : i32
        %add3A_87 = arith.addi %mul3A_2, %mul3A_86 : i32
        %dma_start3A_88 = tpu.memref_slice %arg2[%add3A_87] : memref<16777216xf32, #tpu.memory_space<hbm>> -> memref<8192xf32, #tpu.memory_space<hbm>>
        %dma_start3A_89 = tpu.memref_slice %arg2[%add3A_87] : memref<16777216xf32, #tpu.memory_space<hbm>> -> memref<8192xf32, #tpu.memory_space<hbm>>
        tpu.enqueue_dma source(%dma_start3A_89 : memref<8192xf32, #tpu.memory_space<hbm>>) target(%arg7 : memref<8192xf32, #tpu.memory_space<vmem>>) target_semaphore(%arg13 : memref<!tpu.dma_semaphore, #tpu.memory_space<semaphore_mem>>)
      } else {
      }
    }
    %scan3A_20 = arith.constant 32 : i32
    %add3A_21 = arith.constant 0 : i32
    %add3A_22 = arith.addi %mul3A_2, %add3A_21 : i32
    %dma_wait3A = tpu.memref_slice %arg5[%add3A_22] : memref<16777216xf32, #tpu.memory_space<hbm>> -> memref<8192xf32, #tpu.memory_space<hbm>>
    %dma_wait3A_23 = tpu.memref_slice %arg5[%add3A_22] : memref<16777216xf32, #tpu.memory_space<hbm>> -> memref<8192xf32, #tpu.memory_space<hbm>>
    tpu.wait_dma2 semaphore(%arg14 : memref<!tpu.dma_semaphore, #tpu.memory_space<semaphore_mem>>) src(%arg8 : memref<8192xf32, #tpu.memory_space<vmem>>) dst(%dma_wait3A_23 : memref<8192xf32, #tpu.memory_space<hbm>>)
    %add3A_24 = arith.constant 8192 : i32
    %add3A_25 = arith.addi %mul3A_2, %add3A_24 : i32
    %dma_wait3A_26 = tpu.memref_slice %arg5[%add3A_25] : memref<16777216xf32, #tpu.memory_space<hbm>> -> memref<8192xf32, #tpu.memory_space<hbm>>
    %dma_wait3A_27 = tpu.memref_slice %arg5[%add3A_25] : memref<16777216xf32, #tpu.memory_space<hbm>> -> memref<8192xf32, #tpu.memory_space<hbm>>
    tpu.wait_dma2 semaphore(%arg15 : memref<!tpu.dma_semaphore, #tpu.memory_space<semaphore_mem>>) src(%arg9 : memref<8192xf32, #tpu.memory_space<vmem>>) dst(%dma_wait3A_27 : memref<8192xf32, #tpu.memory_space<hbm>>)
    return
  }
}

module attributes {stable_mosaic.version = 14 : i64} {
  func.func @_reduce_body(%arg0: i32, %arg1: memref<128x4096xf32, #tpu.memory_space<vmem>>, %arg2: memref<1x1x2xf32, #tpu.memory_space<smem>>) attributes {dimension_semantics = [#tpu.dimension_semantics<arbitrary>], iteration_bounds = array<i64: 32>, scalar_prefetch = 0 : i64, scratch_operands = 0 : i64, tpu.core_type = #tpu.core_type<tc>, window_params = [{transform_indices = @transform_0, window_bounds = array<i64: 128, 4096>}, {transform_indices = @transform_1, window_bounds = array<i64: 1, 1, 2>}]} {
    %get3A = arith.constant 0 : index
    %get3A_0 = arith.constant 0 : index
    %get3A_1 = vector.load %arg1[%get3A, %get3A_0] : memref<128x4096xf32, #tpu.memory_space<vmem>>, vector<128x4096xf32>
    %reduce_sum3A = vector.shape_cast %get3A_1 : vector<128x4096xf32> to vector<1x128x4096xf32>
    %reduce_sum3A_2 = arith.constant dense<0.000000e+00> : vector<1xf32>
    %reduce_sum3A_3 = vector.multi_reduction <add>, %reduce_sum3A, %reduce_sum3A_2 [1, 2] : vector<1x128x4096xf32> to vector<1xf32>
    %reduce_sum3A_4 = vector.shape_cast %reduce_sum3A_3 : vector<1xf32> to vector<1x1x1xf32>
    %reduce_sum3A_5 = vector.extract %reduce_sum3A_4[0, 0, 0] : f32 from vector<1x1x1xf32>
    %swap3A = arith.constant 0 : index
    %swap3A_6 = arith.constant 0 : index
    %swap3A_7 = arith.constant 0 : index
    %swap3A_8 = memref.load %arg2[%swap3A, %swap3A_6, %swap3A_7] : memref<1x1x2xf32, #tpu.memory_space<smem>>
    memref.store %reduce_sum3A_5, %arg2[%swap3A, %swap3A_6, %swap3A_7] : memref<1x1x2xf32, #tpu.memory_space<smem>>
    %mul3A = arith.mulf %get3A_1, %get3A_1 : vector<128x4096xf32>
    %reduce_sum3A_9 = vector.shape_cast %mul3A : vector<128x4096xf32> to vector<1x128x4096xf32>
    %reduce_sum3A_10 = arith.constant dense<0.000000e+00> : vector<1xf32>
    %reduce_sum3A_11 = vector.multi_reduction <add>, %reduce_sum3A_9, %reduce_sum3A_10 [1, 2] : vector<1x128x4096xf32> to vector<1xf32>
    %reduce_sum3A_12 = vector.shape_cast %reduce_sum3A_11 : vector<1xf32> to vector<1x1x1xf32>
    %reduce_sum3A_13 = vector.extract %reduce_sum3A_12[0, 0, 0] : f32 from vector<1x1x1xf32>
    %swap3A_14 = arith.constant 0 : index
    %swap3A_15 = arith.constant 0 : index
    %swap3A_16 = arith.constant 1 : index
    %swap3A_17 = memref.load %arg2[%swap3A_14, %swap3A_15, %swap3A_16] : memref<1x1x2xf32, #tpu.memory_space<smem>>
    memref.store %reduce_sum3A_13, %arg2[%swap3A_14, %swap3A_15, %swap3A_16] : memref<1x1x2xf32, #tpu.memory_space<smem>>
    return
  }
  func.func @transform_0(%arg0: i32) -> (i32, i32) {
    %c0_i32 = arith.constant 0 : i32
    %c0_i32_0 = arith.constant 0 : i32
    return %arg0, %c0_i32 : i32, i32
  }
  func.func @transform_1(%arg0: i32) -> (i32, i32, i32) {
    %c0_i32 = arith.constant 0 : i32
    %c0_i32_0 = arith.constant 0 : i32
    %c0_i32_1 = arith.constant 0 : i32
    return %arg0, %c0_i32, %c0_i32_0 : i32, i32, i32
  }
}

</mosaic_0001>

<sc_bundles>
// kernel: kernel.4.cloned.1.call-start
scs
__scs_entry_jumppad:
0x0: {  	(pc) =	sbr.rel $0x88, $3  }
0x1: {  	(tag) =	ssettag $0x0;
	lr =	simm.s32 $0x1  }
0x2: {  	[smem:$0x3F9F] =	sst lr;
	_ =	strace $0xD0000000  }
0x3: {  	_ = 	snop  }
0x4: {  	_ = 	snop  }
0x5: {  	_ = 	snop  }
0x6: {  	_ = 	snop  }
0x7: {  	_ = 	snop  }
__scs_overlays_trampoline_lowered:
0x8: {  	[smem:$0x3FAE] =	sst s0  }
0x9: {  	[smem:$0x3FAF] =	sst s1  }
0xa: {  	[smem:$0x3FB0] =	sst s2  }
0xb: {  	[smem:$0x3FB1] =	sst s3  }
0xc: {  	[smem:$0x3FB2] =	sst s4  }
0xd: {  	[smem:$0x3FB3] =	sst s5  }
0xe: {  	[smem:$0x3FB4] =	sst s6  }
0xf: {  	[smem:$0x3FB5] =	sst s7  }
0x10: {  	[smem:$0x3FB6] =	sst s8  }
0x11: {  	[smem:$0x3FB7] =	sst s9;
	s0 =	simm.s32 @!p0 $0x0  }
0x12: {  	s1 =	sld [smem:$0x3F9D];
	s0 =	simm.s32 @p0 $0x1  }
0x13: {  	[smem:$0x3FB8] =	sst s0;
	s0 =	simm.s32 @!p1 $0x0  }
0x14: {  	s2 =	sld [smem:$0x3F9C];
	s0 =	simm.s32 @p1 $0x1  }
0x15: {  	[smem:$0x3FB9] =	sst s0;
	s0 =	simm.s32 @!p2 $0x0  }
0x16: {  	s3 =	sld [smem:$0x3FDB];
	s0 =	simm.s32 @p2 $0x1  }
0x17: {  	s4 =	simm.s32 $0x1BF5;
	[smem:$0x3FBB] =	sst s0  }
0x18: {  	s0 =	sld [smem:$0x3F9E];
	_ =	swait.ge [sflag:s4], $0x0  }
0x19: {  	s7 =	sld [smem:$0x3F9F]  }
0x1a: {  	s8 =	sadd.s32 $0xFFFFE003, lr  }
0x1b: {  	s9 =	sadd.s32 $0xFFFFFEF7, lr;
	s5 =	simm.s32 $0xFFFFFFFF;
	p2 =	slt.u32 s8, $0xFFFFF086  }
0x1c: {  	p1 =	slt.u32 s9, $0xF7A;
	s5 =	simm.s32 @!p2 $0x0  }
0x1d: {  	s5 =	simm.s32 @p1 $0x1;
	p0 =	seq.s32 s7, s2  }
0x1e: {  	s7 =	smul.u32 @!p0 $0xF7A, s2;
	p2 =	seq.s32 @!p0 s5, $0x0  }
0x1f: {  	s9 =	smul.u32 $0xF7A, s1;
	s8 =	simm.s32 @!p0 $0x1BF5;
	p2 =	por !p2, p0  }
0x20: {  	[sflag:s8] =	ssyncset.s32 @!p0 $0xFFFFF086;
	s6 =	sadd.s32 @!p0 s3, s7;
	s7 =	simm.s32 @!p0 $0x108  }
0x21: {  	s3 =	sadd.s32 s3, s9;
	s6 =	sadd.s32 @!p0 $0x88, s6;
	s7 =	simm.s32 @p2 $0x1082  }
0x22: {  	[simem:s7], [sflag:s8] =	dma.local @!p0 [hbm:s6], $0xF7A  }
0x23: {  	s9 =	sor.u32 $0xD0000000, s2;
	s6 =	simm.s32 $0x108;
	_ =	swait.ge @!p0 [sflag:s8], $0x0  }
0x24: {  	s3 =	sadd.s32 $0x88, s3;
	s6 =	simm.s32 @!p1 $0x1082;
	[sflag:s4] =	ssyncset.s32 $0xFFFFF086  }
0x25: {  	[simem:s6], [sflag:s4] =	dma.local [hbm:s3], $0xF7A  }
0x26: {  	[smem:$0x3F9F] =	sst s1;
	(tag) =	ssettag s2;
	_ =	strace s9  }
0x27: {  	s1 =	sld [smem:$0x3FAF]  }
0x28: {  	s2 =	sld [smem:$0x3FB0]  }
0x29: {  	s4 =	sld [smem:$0x3FB2]  }
0x2a: {  	p0 =	seq.s32 s5, $0x0;
	s5 =	sld [smem:$0x3FB3]  }
0x2b: {  	s6 =	sld [smem:$0x3FB4]  }
0x2c: {  	s7 =	sld [smem:$0x3FB5]  }
0x2d: {  	s3 =	simm.s32 $0x108;
	s8 =	sld [smem:$0x3FB6]  }
0x2e: {  	s3 =	simm.s32 @!p0 $0x1082;
	s9 =	sld [smem:$0x3FB7]  }
0x2f: {  	lr =	sadd.s32 s0, s3;
	s0 =	sld [smem:$0x3FAE]  }
0x30: {  	s3 =	sld [smem:$0x3FB1]  }
0x31: {  	[smem:$0x3FBA] =	sst s10  }
0x32: {  	s10 =	sld [smem:$0x3FB8];
	_ =	sdelay $0x3  }
0x33: {  	p0 =	seq.s32 s10, $0x1;
	s10 =	sld [smem:$0x3FBA];
	_ =	sdelay $0x3  }
0x34: {  	[smem:$0x3FBA] =	sst s10  }
0x35: {  	s10 =	sld [smem:$0x3FB9];
	_ =	sdelay $0x3  }
0x36: {  	p1 =	seq.s32 s10, $0x1;
	s10 =	sld [smem:$0x3FBA];
	_ =	sdelay $0x3  }
0x37: {  	[smem:$0x3FBA] =	sst s10  }
0x38: {  	s10 =	sld [smem:$0x3FBB]  }
0x39: {  	_ = 	snop;
	(pc) =	sbr.ind lr, $3  }
0x3a: {  	_ = 	snop  }
0x3b: {  	_ = 	snop  }
0x3c: {  	p2 =	seq.s32 s10, $0x1;
	s10 =	sld [smem:$0x3FBA]  }
0x3d: {  	_ =	shalt  }
0x3e: {  	_ =	shalt  }
0x3f: {  	_ =	shalt  }
0x40: {  	_ =	shalt  }
0x41: {  	_ =	shalt  }
0x42: {  	_ =	shalt  }
0x43: {  	_ =	shalt  }
0x44: {  	_ =	shalt  }
0x45: {  	_ =	shalt  }
0x46: {  	_ =	shalt  }
0x47: {  	_ =	shalt  }
0x48: {  	_ =	shalt  }
0x49: {  	_ =	shalt  }
0x4a: {  	_ =	shalt  }
0x4b: {  	_ =	shalt  }
0x4c: {  	_ =	shalt  }
0x4d: {  	_ =	shalt  }
0x4e: {  	_ =	shalt  }
0x4f: {  	_ =	shalt  }
0x50: {  	_ =	shalt  }
0x51: {  	_ =	shalt  }
0x52: {  	_ =	shalt  }
0x53: {  	_ =	shalt  }
0x54: {  	_ =	shalt  }
0x55: {  	_ =	shalt  }
0x56: {  	_ =	shalt  }
0x57: {  	_ =	shalt  }
0x58: {  	_ =	shalt  }
0x59: {  	_ =	shalt  }
0x5a: {  	_ =	shalt  }
0x5b: {  	_ =	shalt  }
0x5c: {  	_ =	shalt  }
0x5d: {  	_ =	shalt  }
0x5e: {  	_ =	shalt  }
0x5f: {  	_ =	shalt  }
0x60: {  	_ =	shalt  }
0x61: {  	_ =	shalt  }
0x62: {  	_ =	shalt  }
0x63: {  	_ =	shalt  }
0x64: {  	_ =	shalt  }
0x65: {  	_ =	shalt  }
0x66: {  	_ =	shalt  }
0x67: {  	_ =	shalt  }
0x68: {  	_ =	shalt  }
0x69: {  	_ =	shalt  }
0x6a: {  	_ =	shalt  }
0x6b: {  	_ =	shalt  }
0x6c: {  	_ =	shalt  }
0x6d: {  	_ =	shalt  }
0x6e: {  	_ =	shalt  }
0x6f: {  	_ =	shalt  }
0x70: {  	_ =	shalt  }
0x71: {  	_ =	shalt  }
0x72: {  	_ =	shalt  }
0x73: {  	_ =	shalt  }
0x74: {  	_ =	shalt  }
0x75: {  	_ =	shalt  }
0x76: {  	_ =	shalt  }
0x77: {  	_ =	shalt  }
0x78: {  	_ =	shalt  }
0x79: {  	_ =	shalt  }
0x7a: {  	_ =	shalt  }
0x7b: {  	_ =	shalt  }
0x7c: {  	_ =	shalt  }
0x7d: {  	_ =	shalt  }
0x7e: {  	_ =	shalt  }
0x7f: {  	_ =	shalt  }
0x80: {  	_ =	shalt  }
0x81: {  	_ =	shalt  }
0x82: {  	_ =	shalt  }
0x83: {  	_ =	shalt  }
0x84: {  	_ =	shalt  }
0x85: {  	_ =	shalt  }
0x86: {  	_ =	shalt  }
0x87: {  	_ =	shalt  }
.Lfunc_end0:
.L_simem_size_0:
called_computation.1_lowered:
.L_overlay_start_0:
0x88: {  	s2 =	sld [smem:$0x3FD9]  }
0x89: {  	s3 =	sld [smem:$0x3FFE];
	_ =	sdelay $0x1  }
0x8a: {  	s1 =	srdreg.scid  }
0x8b: {  	s0 =	sand.u32 $0x1, s1  }
0x8c: {  	s17 =	sshll.u32 s0, $0xA;
	s2 =	sadd.s32 s3, s2  }
0x8d: {  	s2 =	sadd.s32 s2, s17  }
0x8e: {  	[smem:$0x3FC6] =	sst s2  }
0x8f: {  	_ = 	snop  }
0x90: {  	s2 =	sld [smem:$0x3FD0];
	(tm) =	ssettm $0x1  }
0x91: {  	s18 =	sld [smem:$0x3FFB];
	_ =	sdelay $0x3  }
0x92: {  	_ =	strace s18  }
0x93: {  	s3 =	sld [smem:$0x3FFC];
	_ =	sdelay $0x3  }
0x94: {  	_ =	strace s3  }
0x95: {  	s3 =	sld [smem:$0x3FFD];
	_ =	sdelay $0x3  }
0x96: {  	_ =	strace s3  }
0x97: {  	_ =	strace $0x8FFFFFFF  }
0x98: {  	s19 =	sld [smem:$0x3FDB];
	_ =	sdelay $0x1  }
0x99: {  	s4 =	simm.s32 $_scs_section_size  }
0x9a: {  	s5 =	simm.s32 $_size__tile_overlayer_lowered;
	s6 =	simm.s32 $_tile_overlayer_lowered  }
0x9b: {  	s22 =	simm.s32 $0x1BFF;
	s21 =	sshll.u32 s6, $0x1;
	s3 =	sadd.s32 s4, s19  }
0x9c: {  	s7 =	simm.s32 $0x0;
	s20 =	sshll.u32 s5, $0x1;
	s5 =	sadd.s32 s21, s3  }
0x9d: {  	[timem:s7], [sflag:s22] =	dma.local [hbm:s5], s20  }
0x9e: {  	_ =	swait.ge [sflag:s22], s20  }
0x9f: {  	s4 =	ssub.s32 $0x0, s20;
	[sflag:s22] =	ssyncset.done $0x0  }
0xa0: {  	[sflag:s22] =	ssyncadd.s32 s4;
	_ =	sdelay $0x1  }
0xa1: {  	s23 =	simm.s32 $0x1B8B  }
0xa2: {  	_ =	swait.ge [sflag:s23], $0x1  }
0xa3: {  	[sflag:s23] =	ssyncset.done $0x0  }
0xa4: {  	s25 =	simm.s32 $0x1B8E;
	s24 =	sld [smem:$0x3FFE];
	[sflag:s23] =	ssyncadd.s32 $0xFFFFFFFF  }
0xa5: {  	s26 =	simm.s32 $execute0_lowered;
	[smem:$0x3FD2] =	sst s25  }
0xa6: {  	s5 =	sshll.u32 s26, $0x1;
	_ =	strace $0x80000049;
	[dreg:$0x1] =	wrdreg $0xFFFFFFFF  }
0xa7: {  	s28 =	simm.s32 $_size_execute0_lowered;
	s3 =	sadd.s32 s3, s5;
	[dreg:$0x0] =	wrdreg $0x0  }
0xa8: {  	s5 =	sshll.u32 s28, $0x1;
	[dreg:$0x2] =	wrdreg s3  }
0xa9: {  	[dreg:$0x3] =	wrdreg s5  }
0xaa: {  	[dreg:$0x4] =	wrdreg $0xC0  }
0xab: {  	_ =	task [dreg:s7], $0x5FFFF  }
0xac: {  	[dreg:$0x1] =	wrdreg $0xFFFFFFFF  }
0xad: {  	[dreg:$0x0] =	wrdreg $0x60  }
0xae: {  	[dreg:$0x2] =	wrdreg s2  }
0xaf: {  	[dreg:$0x3] =	wrdreg s24  }
0xb0: {  	[dreg:$0x4] =	wrdreg $0x9  }
0xb1: {  	_ =	task.clear_ibuf [dreg:s7], $0x5FFFF;
	_ =	strace $0x90000049  }
0xb2: {  	s29 =	simm.s32 $0x9;
	_ =	strace $0x8000004B  }
0xb3: {  	_ =	swait.ge [sflag:s29], $0x1  }
0xb4: {  	[sflag:s29] =	ssyncadd.s32 $0xFFFFFFFF  }
0xb5: {  	_ =	strace $0x9000004B  }
0xb6: {  	_ =	sfence  }
0xb7: {  	s30 =	sld [smem:$0x0];
	_ =	sdelay $0x2  }
0xb8: {  	s31 =	sshll.u32 s1, $0xD;
	s1 =	sshrl.u32 s1, $0x2  }
0xb9: {  	s3 =	sand.u32 $0x4000, s31;
	s1 =	sadd.s32 s1, s30  }
0xba: {  	s0 =	sor.u32 s3, s0;
	s1 =	sshll.u32 s1, $0x11  }
0xbb: {  	s0 =	sor.u32 s1, s0  }
0xbc: {  	s0 =	sadd.s32 $0x8F2B, s0  }
0xbd: {  	[sflag:s0] =	ssyncadd.remote.s32 $0x1  }
0xbe: {  	_ =	sfence.sel $0xFFFF  }
0xbf: {  	[dreg:$0x0] =	wrdreg $0xFFFFFFFF;
	(pc) =	sbr.abs _section_cstart, $3  }
0xc0: {  	[dreg:$0x1] =	wrdreg $0xFFFFFFFF  }
0xc1: {  	_ =	task.clear_ibuf [dreg:s7], $0x2FFFF;
	_ =	strace $0x9FFFFFFF  }
0xc2: {  	(tm) =	ssettm $0x7FFFFFFF  }
0xc3: {  	_ =	shalt  }
tec
execute0_lowered:
.L_overlay_start_1:
0x0: {  	(tag) =	ssettag $0x1  }
0x1: {  	s1 =	rddreg [dreg:$0x0]  }
0x2: {  	s7 =	rddreg [dreg:$0x1]  }
0x3: {  	s0 =	rddreg [dreg:$0x2];
	s3 =	simm.s32 $0x0;
	s4 =	srdreg.scid  }
0x4: {  	s2 =	stileid.u32;
	s13 =	simm.s32 $0x8000;
	s14 =	simm.s32 $0x5  }
0x5: {  	s15 =	simm.s32 $0x8080;
	s16 =	simm.s32 $0x2000;
	s17 =	simm.s32 $0x1  }
0x6: {  	s18 =	simm.s32 $0x4000;
	s19 =	simm.s32 $0x2;
	s20 =	simm.s32 $0x4  }
0x7: {  	s21 =	simm.s32 $0x6000;
	s22 =	simm.s32 $0x3;
	s23 =	simm.s32 $0x0  }
0x8: {  	[smem:$0x7FF] =	sst s3;
	s5 =	sand.u32 $0x1, s4;
	s6 =	sshll.u32 s2, $0x14  }
0x9: {  	s4 =	sadd.s32 $0x200, s7;
	_ =	strace $0x8000004A;
	s8 =	sshll.u32 s5, $0x13  }
0xa: {  	s9 =	ssub.s32 $0x2, s5;
	s5 =	sor.u32 s8, s6;
	s6 =	sadd.s32 $0x400, s7  }
0xb: {  	s31 =	sshrl.u32 s9, $0x1;
	s7 =	sadd.s32 $0x600, s7;
	s10 =	sshrl.u32 s5, $0x3  }
0xc: {  	s12 =	ssub.s32 s9, s31;
	s11 =	sor.u32 $0x6000, s5;
	s8 =	sadd.s32 s1, s10  }
0xd: {  	s10 =	sor.u32 $0x4000, s5;
	s12 =	smax.u32 s12, $0x1;
	s9 =	sadd.s32 $0x400, s8  }
.LBB2_1:
0xe: {  	[tilespmem:s13], [sflag:$0x5] =	stream.linear.gather [hbm4b:s6+s3], $0x80, $0x38;
	[tilespmem:$0x8100] =	vst v63  }
0xf: {  	_ =	swait.ge [sflag:s14], $0x80  }
0x10: {  	[sflag:s14] =	ssyncset.done $0x0  }
0x11: {  	[sflag:s14] =	ssyncadd.s32 $0xFFFFFF80  }
0x12: {  	[tilespmem:s15], [sflag:$0x5] =	stream.linear.gather [hbm4b:s4+s3], $0x80, $0x38;
	[tilespmem:$0x8100] =	vst v63  }
0x13: {  	_ =	swait.ge [sflag:s14], $0x80  }
0x14: {  	[sflag:s14] =	ssyncset.done $0x0  }
0x15: {  	[sflag:s14] =	ssyncadd.s32 $0xFFFFFF80  }
0x16: {  	v0 =	vld [tilespmem:$0x8080]  }
0x17: {  	v1 =	vld [tilespmem:$0x8090];
	[tilespmem:s3], [sflag:$0x1] =	stream.linear.gather [hbm4b:s8+s3], $0x2000, $0x38  }
0x18: {  	s24 =	simm.s32 $0x0  }
0x19: {  	[tilespmem:s16], [sflag:$0x2] =	stream.linear.gather [hbm4b:s9+s3], $0x2000, $0x38;
	[tilespmem:$0x8100] =	vst v63  }
.LBB2_2:
0x1a: {  	_ =	swait.ge [sflag:s17], $0x2000  }
0x1b: {  	p0 =	seq.s32 s24, $0x0;
	[sflag:s17] =	ssyncset.done $0x0  }
0x1c: {  	s28 =	simm.s32 @!p0 $0x3;
	[sflag:s17] =	ssyncadd.s32 $0xFFFFE000  }
0x1d: {  	s25 =	sshll.u32 s24, $0xE;
	_ =	swait.ge @!p0 [sflag:s28], $0x2000  }
0x1e: {  	s29 =	simm.s32 $0x40;
	s30 =	simm.s32 $0x4040;
	[sflag:s28] =	ssyncset.done @!p0 $0x0  }
0x1f: {  	s26 =	sor.u32 s5, s25;
	[sflag:s28] =	ssyncadd.s32 @!p0 $0xFFFFE000;
	s28 =	simm.s32 $0xFFFFFFF8  }
.LBB2_3:
0x20: {  	v2 =	vld [tilespmem:s29+$0xFFFFFFC0];
	_ =	sdelay $0x4  }
0x21: {  	v3 =	vmul.f32 v2, v0;
	_ =	sdelay $0x1  }
0x22: {  	v3 =	vadd.f32 v3, v1;
	_ =	sdelay $0x1  }
0x23: {  	v3 =	vand.u32 $0x7FFFFFFF, v3  }
0x24: {  	v3 =	vmin.f32 v3, $9.600000000e+01  }
0x25: {  	v3 =	vtrunc.f32 v3  }
0x26: {  	v3 =	vcvt.f32.s32 v3;
	_ =	sdelay $0x5  }
0x27: {  	v3 =	vld.idx.msk [tilespmem:v3+s13+$0x0], $0xffff;
	_ =	sdelay $0x3  }
0x28: {  	v2 =	vand.u32 $0x80000000, v2  }
0x29: {  	v2 =	vor.u32 v3, v2  }
0x2a: {  	[tilespmem:s30+$0xFFFFFFC0] =	vst v2  }
0x2b: {  	v2 =	vld [tilespmem:s29+$0xFFFFFFD0];
	_ =	sdelay $0x4  }
0x2c: {  	v3 =	vmul.f32 v2, v0;
	_ =	sdelay $0x1  }
0x2d: {  	v3 =	vadd.f32 v3, v1;
	_ =	sdelay $0x1  }
0x2e: {  	v3 =	vand.u32 $0x7FFFFFFF, v3  }
0x2f: {  	v3 =	vmin.f32 v3, $9.600000000e+01  }
0x30: {  	v3 =	vtrunc.f32 v3  }
0x31: {  	v3 =	vcvt.f32.s32 v3;
	_ =	sdelay $0x5  }
0x32: {  	v3 =	vld.idx.msk [tilespmem:v3+s13+$0x0], $0xffff;
	_ =	sdelay $0x3  }
0x33: {  	v2 =	vand.u32 $0x80000000, v2  }
0x34: {  	v2 =	vor.u32 v3, v2  }
0x35: {  	[tilespmem:s30+$0xFFFFFFD0] =	vst v2  }
0x36: {  	v2 =	vld [tilespmem:s29+$0xFFFFFFE0];
	_ =	sdelay $0x4  }
0x37: {  	v3 =	vmul.f32 v2, v0;
	_ =	sdelay $0x1  }
0x38: {  	v3 =	vadd.f32 v3, v1;
	_ =	sdelay $0x1  }
0x39: {  	v3 =	vand.u32 $0x7FFFFFFF, v3  }
0x3a: {  	v3 =	vmin.f32 v3, $9.600000000e+01  }
0x3b: {  	v3 =	vtrunc.f32 v3  }
0x3c: {  	v3 =	vcvt.f32.s32 v3;
	_ =	sdelay $0x5  }
0x3d: {  	v3 =	vld.idx.msk [tilespmem:v3+s13+$0x0], $0xffff;
	_ =	sdelay $0x3  }
0x3e: {  	v2 =	vand.u32 $0x80000000, v2  }
0x3f: {  	v2 =	vor.u32 v3, v2  }
0x40: {  	[tilespmem:s30+$0xFFFFFFE0] =	vst v2  }
0x41: {  	v2 =	vld [tilespmem:s29+$0xFFFFFFF0];
	_ =	sdelay $0x4  }
0x42: {  	v3 =	vmul.f32 v2, v0;
	_ =	sdelay $0x1  }
0x43: {  	v3 =	vadd.f32 v3, v1;
	_ =	sdelay $0x1  }
0x44: {  	v3 =	vand.u32 $0x7FFFFFFF, v3  }
0x45: {  	v3 =	vmin.f32 v3, $9.600000000e+01  }
0x46: {  	v3 =	vtrunc.f32 v3  }
0x47: {  	v3 =	vcvt.f32.s32 v3;
	_ =	sdelay $0x5  }
0x48: {  	v3 =	vld.idx.msk [tilespmem:v3+s13+$0x0], $0xffff;
	_ =	sdelay $0x3  }
0x49: {  	v2 =	vand.u32 $0x80000000, v2  }
0x4a: {  	v2 =	vor.u32 v3, v2  }
0x4b: {  	[tilespmem:s30+$0xFFFFFFF0] =	vst v2  }
0x4c: {  	v2 =	vld [tilespmem:s29+$0x0];
	_ =	sdelay $0x4  }
0x4d: {  	v3 =	vmul.f32 v2, v0;
	_ =	sdelay $0x1  }
0x4e: {  	v3 =	vadd.f32 v3, v1;
	_ =	sdelay $0x1  }
0x4f: {  	v3 =	vand.u32 $0x7FFFFFFF, v3  }
0x50: {  	v3 =	vmin.f32 v3, $9.600000000e+01  }
0x51: {  	v3 =	vtrunc.f32 v3  }
0x52: {  	v3 =	vcvt.f32.s32 v3;
	_ =	sdelay $0x5  }
0x53: {  	v3 =	vld.idx.msk [tilespmem:v3+s13+$0x0], $0xffff;
	_ =	sdelay $0x3  }
0x54: {  	v2 =	vand.u32 $0x80000000, v2  }
0x55: {  	v2 =	vor.u32 v3, v2  }
0x56: {  	[tilespmem:s30+$0x0] =	vst v2  }
0x57: {  	v2 =	vld [tilespmem:s29+$0x10];
	_ =	sdelay $0x4  }
0x58: {  	v3 =	vmul.f32 v2, v0;
	_ =	sdelay $0x1  }
0x59: {  	v3 =	vadd.f32 v3, v1;
	_ =	sdelay $0x1  }
0x5a: {  	v3 =	vand.u32 $0x7FFFFFFF, v3  }
0x5b: {  	v3 =	vmin.f32 v3, $9.600000000e+01  }
0x5c: {  	v3 =	vtrunc.f32 v3  }
0x5d: {  	v3 =	vcvt.f32.s32 v3;
	_ =	sdelay $0x5  }
0x5e: {  	v3 =	vld.idx.msk [tilespmem:v3+s13+$0x0], $0xffff;
	_ =	sdelay $0x3  }
0x5f: {  	v2 =	vand.u32 $0x80000000, v2  }
0x60: {  	v2 =	vor.u32 v3, v2  }
0x61: {  	[tilespmem:s30+$0x10] =	vst v2  }
0x62: {  	v2 =	vld [tilespmem:s29+$0x20];
	_ =	sdelay $0x4  }
0x63: {  	v3 =	vmul.f32 v2, v0;
	_ =	sdelay $0x1  }
0x64: {  	v3 =	vadd.f32 v3, v1;
	_ =	sdelay $0x1  }
0x65: {  	v3 =	vand.u32 $0x7FFFFFFF, v3  }
0x66: {  	v3 =	vmin.f32 v3, $9.600000000e+01  }
0x67: {  	v3 =	vtrunc.f32 v3  }
0x68: {  	v3 =	vcvt.f32.s32 v3;
	_ =	sdelay $0x5  }
0x69: {  	v3 =	vld.idx.msk [tilespmem:v3+s13+$0x0], $0xffff;
	_ =	sdelay $0x3  }
0x6a: {  	v2 =	vand.u32 $0x80000000, v2  }
0x6b: {  	v2 =	vor.u32 v3, v2  }
0x6c: {  	[tilespmem:s30+$0x20] =	vst v2  }
0x6d: {  	v2 =	vld [tilespmem:s29+$0x30];
	_ =	sdelay $0x4  }
0x6e: {  	v3 =	vmul.f32 v2, v0;
	_ =	sdelay $0x1  }
0x6f: {  	v3 =	vadd.f32 v3, v1;
	_ =	sdelay $0x1  }
0x70: {  	v3 =	vand.u32 $0x7FFFFFFF, v3  }
0x71: {  	v3 =	vmin.f32 v3, $9.600000000e+01  }
0x72: {  	v3 =	vtrunc.f32 v3  }
0x73: {  	v3 =	vcvt.f32.s32 v3;
	_ =	sdelay $0x5  }
0x74: {  	s28 =	sadd.s32 $0x8, s28;
	v3 =	vld.idx.msk [tilespmem:v3+s13+$0x0], $0xffff  }
0x75: {  	p1 =	slt.u32 s28, $0x1F8  }
.Ltmp0:
0x76: {  	_ = 	snop;
	(pc) =	sbr.rel @p1 .LBB2_3-.Ltmp0, $4  }
0x77: {  	_ = 	snop  }
0x78: {  	v2 =	vand.u32 $0x80000000, v2  }
0x79: {  	v2 =	vor.u32 v3, v2  }
0x7a: {  	s29 =	sadd.s32 $0x80, s29;
	[tilespmem:s30+$0x30] =	vst v2;
	s30 =	sadd.s32 $0x80, s30  }
0x7b: {  	p1 =	sne.s32 s24, $0x1F  }
.Ltmp1:
0x7c: {  	_ = 	snop;
	(pc) =	sbr.rel @p1 .LBB2_6-.Ltmp1, $4  }
0x7d: {  	_ = 	snop  }
0x7e: {  	s26 =	sshrl.u32 s26, $0x3  }
0x7f: {  	s28 =	sadd.s32 s7, s26  }
0x80: {  	[hbm4b:s28+s3] =	stream.linear.scatter [tilespmem:s18], [sflag:$0x3], $0x2000, $0x38;
	[tilespmem:$0x8100] =	vst v63  }
.Ltmp2:
0x81: {  	(pc) =	sbr.rel .LBB2_7-.Ltmp2, $4  }
0x82: {  	_ = 	snop  }
0x83: {  	_ =	swait.ge [sflag:s19], $0x2000  }
0x84: {  	[sflag:s19] =	ssyncset.done $0x0  }
0x85: {  	[sflag:s19] =	ssyncadd.s32 $0xFFFFE000  }
.LBB2_6:
0x86: {  	s28 =	sadd.s32 s25, s10  }
0x87: {  	s28 =	sshrl.u32 s28, $0x3  }
.Ltmp3:
0x88: {  	s28 =	sadd.s32 s1, s28;
	(pc) =	sbr.rel @p0 .LBB2_8-.Ltmp3, $4  }
0x89: {  	[tilespmem:s3], [sflag:$0x1] =	stream.linear.gather [hbm4b:s28+s3], $0x2000, $0x38;
	[tilespmem:$0x8100] =	vst v63  }
0x8a: {  	_ =	swait.ge [sflag:s19], $0x2000  }
0x8b: {  	[sflag:s19] =	ssyncset.done $0x0  }
0x8c: {  	[sflag:s19] =	ssyncadd.s32 $0xFFFFE000  }
.LBB2_7:
0x8d: {  	_ =	swait.ge [sflag:s20], $0x2000  }
0x8e: {  	[sflag:s20] =	ssyncset.done $0x0  }
0x8f: {  	[sflag:s20] =	ssyncadd.s32 $0xFFFFE000  }
.LBB2_8:
0x90: {  	s28 =	sadd.s32 $0x1, s24  }
0x91: {  	s29 =	simm.s32 $0xFFFFFFF8;
	s30 =	simm.s32 $0x2040;
	s31 =	simm.s32 $0x6040  }
.LBB2_9:
0x92: {  	v2 =	vld [tilespmem:s30+$0xFFFFFFC0];
	_ =	sdelay $0x4  }
0x93: {  	v3 =	vmul.f32 v2, v0;
	_ =	sdelay $0x1  }
0x94: {  	v3 =	vadd.f32 v3, v1;
	_ =	sdelay $0x1  }
0x95: {  	v3 =	vand.u32 $0x7FFFFFFF, v3  }
0x96: {  	v3 =	vmin.f32 v3, $9.600000000e+01  }
0x97: {  	v3 =	vtrunc.f32 v3  }
0x98: {  	v3 =	vcvt.f32.s32 v3;
	_ =	sdelay $0x5  }
0x99: {  	v3 =	vld.idx.msk [tilespmem:v3+s13+$0x0], $0xffff;
	_ =	sdelay $0x3  }
0x9a: {  	v2 =	vand.u32 $0x80000000, v2  }
0x9b: {  	v2 =	vor.u32 v3, v2  }
0x9c: {  	[tilespmem:s31+$0xFFFFFFC0] =	vst v2  }
0x9d: {  	v2 =	vld [tilespmem:s30+$0xFFFFFFD0];
	_ =	sdelay $0x4  }
0x9e: {  	v3 =	vmul.f32 v2, v0;
	_ =	sdelay $0x1  }
0x9f: {  	v3 =	vadd.f32 v3, v1;
	_ =	sdelay $0x1  }
0xa0: {  	v3 =	vand.u32 $0x7FFFFFFF, v3  }
0xa1: {  	v3 =	vmin.f32 v3, $9.600000000e+01  }
0xa2: {  	v3 =	vtrunc.f32 v3  }
0xa3: {  	v3 =	vcvt.f32.s32 v3;
	_ =	sdelay $0x5  }
0xa4: {  	v3 =	vld.idx.msk [tilespmem:v3+s13+$0x0], $0xffff;
	_ =	sdelay $0x3  }
0xa5: {  	v2 =	vand.u32 $0x80000000, v2  }
0xa6: {  	v2 =	vor.u32 v3, v2  }
0xa7: {  	[tilespmem:s31+$0xFFFFFFD0] =	vst v2  }
0xa8: {  	v2 =	vld [tilespmem:s30+$0xFFFFFFE0];
	_ =	sdelay $0x4  }
0xa9: {  	v3 =	vmul.f32 v2, v0;
	_ =	sdelay $0x1  }
0xaa: {  	v3 =	vadd.f32 v3, v1;
	_ =	sdelay $0x1  }
0xab: {  	v3 =	vand.u32 $0x7FFFFFFF, v3  }
0xac: {  	v3 =	vmin.f32 v3, $9.600000000e+01  }
0xad: {  	v3 =	vtrunc.f32 v3  }
0xae: {  	v3 =	vcvt.f32.s32 v3;
	_ =	sdelay $0x5  }
0xaf: {  	v3 =	vld.idx.msk [tilespmem:v3+s13+$0x0], $0xffff;
	_ =	sdelay $0x3  }
0xb0: {  	v2 =	vand.u32 $0x80000000, v2  }
0xb1: {  	v2 =	vor.u32 v3, v2  }
0xb2: {  	[tilespmem:s31+$0xFFFFFFE0] =	vst v2  }
0xb3: {  	v2 =	vld [tilespmem:s30+$0xFFFFFFF0];
	_ =	sdelay $0x4  }
0xb4: {  	v3 =	vmul.f32 v2, v0;
	_ =	sdelay $0x1  }
0xb5: {  	v3 =	vadd.f32 v3, v1;
	_ =	sdelay $0x1  }
0xb6: {  	v3 =	vand.u32 $0x7FFFFFFF, v3  }
0xb7: {  	v3 =	vmin.f32 v3, $9.600000000e+01  }
0xb8: {  	v3 =	vtrunc.f32 v3  }
0xb9: {  	v3 =	vcvt.f32.s32 v3;
	_ =	sdelay $0x5  }
0xba: {  	v3 =	vld.idx.msk [tilespmem:v3+s13+$0x0], $0xffff;
	_ =	sdelay $0x3  }
0xbb: {  	v2 =	vand.u32 $0x80000000, v2  }
0xbc: {  	v2 =	vor.u32 v3, v2  }
0xbd: {  	[tilespmem:s31+$0xFFFFFFF0] =	vst v2  }
0xbe: {  	v2 =	vld [tilespmem:s30+$0x0];
	_ =	sdelay $0x4  }
0xbf: {  	v3 =	vmul.f32 v2, v0;
	_ =	sdelay $0x1  }
0xc0: {  	v3 =	vadd.f32 v3, v1;
	_ =	sdelay $0x1  }
0xc1: {  	v3 =	vand.u32 $0x7FFFFFFF, v3  }
0xc2: {  	v3 =	vmin.f32 v3, $9.600000000e+01  }
0xc3: {  	v3 =	vtrunc.f32 v3  }
0xc4: {  	v3 =	vcvt.f32.s32 v3;
	_ =	sdelay $0x5  }
0xc5: {  	v3 =	vld.idx.msk [tilespmem:v3+s13+$0x0], $0xffff;
	_ =	sdelay $0x3  }
0xc6: {  	v2 =	vand.u32 $0x80000000, v2  }
0xc7: {  	v2 =	vor.u32 v3, v2  }
0xc8: {  	[tilespmem:s31+$0x0] =	vst v2  }
0xc9: {  	v2 =	vld [tilespmem:s30+$0x10];
	_ =	sdelay $0x4  }
0xca: {  	v3 =	vmul.f32 v2, v0;
	_ =	sdelay $0x1  }
0xcb: {  	v3 =	vadd.f32 v3, v1;
	_ =	sdelay $0x1  }
0xcc: {  	v3 =	vand.u32 $0x7FFFFFFF, v3  }
0xcd: {  	v3 =	vmin.f32 v3, $9.600000000e+01  }
0xce: {  	v3 =	vtrunc.f32 v3  }
0xcf: {  	v3 =	vcvt.f32.s32 v3;
	_ =	sdelay $0x5  }
0xd0: {  	v3 =	vld.idx.msk [tilespmem:v3+s13+$0x0], $0xffff;
	_ =	sdelay $0x3  }
0xd1: {  	v2 =	vand.u32 $0x80000000, v2  }
0xd2: {  	v2 =	vor.u32 v3, v2  }
0xd3: {  	[tilespmem:s31+$0x10] =	vst v2  }
0xd4: {  	v2 =	vld [tilespmem:s30+$0x20];
	_ =	sdelay $0x4  }
0xd5: {  	v3 =	vmul.f32 v2, v0;
	_ =	sdelay $0x1  }
0xd6: {  	v3 =	vadd.f32 v3, v1;
	_ =	sdelay $0x1  }
0xd7: {  	v3 =	vand.u32 $0x7FFFFFFF, v3  }
0xd8: {  	v3 =	vmin.f32 v3, $9.600000000e+01  }
0xd9: {  	v3 =	vtrunc.f32 v3  }
0xda: {  	v3 =	vcvt.f32.s32 v3;
	_ =	sdelay $0x5  }
0xdb: {  	v3 =	vld.idx.msk [tilespmem:v3+s13+$0x0], $0xffff;
	_ =	sdelay $0x3  }
0xdc: {  	v2 =	vand.u32 $0x80000000, v2  }
0xdd: {  	v2 =	vor.u32 v3, v2  }
0xde: {  	[tilespmem:s31+$0x20] =	vst v2  }
0xdf: {  	v2 =	vld [tilespmem:s30+$0x30];
	_ =	sdelay $0x4  }
0xe0: {  	v3 =	vmul.f32 v2, v0;
	_ =	sdelay $0x1  }
0xe1: {  	v3 =	vadd.f32 v3, v1;
	_ =	sdelay $0x1  }
0xe2: {  	v3 =	vand.u32 $0x7FFFFFFF, v3  }
0xe3: {  	v3 =	vmin.f32 v3, $9.600000000e+01  }
0xe4: {  	v3 =	vtrunc.f32 v3  }
0xe5: {  	v3 =	vcvt.f32.s32 v3;
	_ =	sdelay $0x5  }
0xe6: {  	s29 =	sadd.s32 $0x8, s29;
	v3 =	vld.idx.msk [tilespmem:v3+s13+$0x0], $0xffff  }
0xe7: {  	p0 =	slt.u32 s29, $0x1F8  }
.Ltmp4:
0xe8: {  	_ = 	snop;
	(pc) =	sbr.rel @p0 .LBB2_9-.Ltmp4, $4  }
0xe9: {  	_ = 	snop  }
0xea: {  	v2 =	vand.u32 $0x80000000, v2  }
0xeb: {  	v2 =	vor.u32 v3, v2  }
0xec: {  	s30 =	sadd.s32 $0x80, s30;
	[tilespmem:s31+$0x30] =	vst v2;
	s31 =	sadd.s32 $0x80, s31  }
0xed: {  	s26 =	sadd.s32 s26, s7;
	p0 =	seq.s32 s24, $0x1F  }
0xee: {  	s31 =	sadd.s32 $0x400, s26;
	s24 =	sadd.s32 @!p0 s25, s11  }
0xef: {  	[hbm4b:s31+s3] =	stream.linear.scatter [tilespmem:s21], [sflag:$0x4], $0x2000, $0x38;
	[tilespmem:$0x8100] =	vst v63  }
0xf0: {  	s25 =	simm.s32 @!p0 $0x0;
	s24 =	sshrl.u32 @!p0 s24, $0x3  }
0xf1: {  	s26 =	simm.s32 @!p0 $0x2000;
	p1 =	sne.s32 @!p0 s28, $0x20;
	s24 =	sadd.s32 @!p0 s1, s24  }
0xf2: {  	[tilespmem:s26], [sflag:$0x2] =	stream.linear.gather @!p0 [hbm4b:s24+s25], $0x2000, $0x38;
	[tilespmem:$0x8100] =	vst v63  }
0xf3: {  	p0 =	por p0, !p1  }
.Ltmp5:
0xf4: {  	_ = 	snop;
	(pc) =	sbr.rel @!p0 .LBB2_2-.Ltmp5, $2  }
0xf5: {  	_ =	sdelay $0x2  }
0xf6: {  	s24 =	smov.u32 s28  }
0xf7: {  	s23 =	sadd.s32 $0x1, s23  }
0xf8: {  	_ =	swait.ge [sflag:s22], $0x2000;
	p0 =	sne.s32 s23, s12  }
.Ltmp6:
0xf9: {  	[sflag:s22] =	ssyncset.done $0x0;
	(pc) =	sbr.rel @p0 .LBB2_1-.Ltmp6, $4  }
0xfa: {  	[sflag:s22] =	ssyncadd.s32 $0xFFFFE000  }
0xfb: {  	_ =	swait.ge [sflag:s20], $0x2000  }
0xfc: {  	[sflag:s20] =	ssyncset.done $0x0  }
0xfd: {  	[sflag:s20] =	ssyncadd.s32 $0xFFFFE000  }
0xfe: {  	_ =	sfence.sel $0x180000  }
0xff: {  	[bflag:$0x0] =	sbarrier.arrive $0xFFFF  }
0x100: {  	p0 =	sne.s32 s2, $0x0;
	_ =	strace $0x9000004A  }
0x101: {  	s0 =	sadd.s32 @!p0 $0x100000, s0;
	[bflag:$0x2] =	sbarrier.arrive $0xFFFF  }
0x102: {  	[sflag:s0] =	ssyncadd.tile.s32 @!p0 $0x1;
	_ =	shalt  }
.Lfunc_end2:
_tile_overlayer_lowered:
.L_overlay_start_2:
0x103: {  	(tag) =	ssettag $0x2  }
0x104: {  	s0 =	rddreg [dreg:$0x0];
	s2 =	stileid.u32  }
0x105: {  	s1 =	rddreg [dreg:$0x1];
	p0 =	sne.s32 s2, $0x0  }
0x106: {  	s3 =	rddreg [dreg:$0x2];
	[bflag:$0x3] =	sbarrier.arrive $0xFFFF;
	s2 =	simm.s32 @!p0 $0x1C05  }
0x107: {  	[timem:s3], [sflag:s2] =	dma.local @!p0 [hbm:s0], s1  }
0x108: {  	s0 =	simm.s32 @!p0 $0x5  }
0x109: {  	_ =	swait.ge @!p0 [sflag:s0], s1  }
0x10a: {  	s1 =	ssub.s32 @!p0 $0x0, s1;
	[sflag:s0] =	ssyncset.done @!p0 $0x0  }
0x10b: {  	[sflag:s0] =	ssyncadd.s32 @!p0 s1  }
0x10c: {  	[bflag:$0x3] =	sbarrier.arrive $0xFFFF  }
0x10d: {  	_ =	shalt  }

// kernel: sparse-core-data-format-call.cloned.1.call-start
scs
called_computation_lowered:
.L_overlay_start_0:
0x0: {  	s2 =	sld [smem:$0x3FD9]  }
0x1: {  	s3 =	sld [smem:$0x3FFE];
	_ =	sdelay $0x1  }
0x2: {  	s1 =	srdreg.scid  }
0x3: {  	s0 =	sand.u32 $0x1, s1  }
0x4: {  	s19 =	sshll.u32 s0, $0xA;
	s2 =	sadd.s32 s3, s2  }
0x5: {  	s2 =	sadd.s32 s2, s19  }
0x6: {  	[smem:$0x3FC6] =	sst s2  }
0x7: {  	_ = 	snop  }
0x8: {  	s2 =	sld [smem:$0x3FC9]  }
0x9: {  	s20 =	sld [smem:$0x3FD0];
	(tm) =	ssettm $0x1  }
0xa: {  	s4 =	sld [smem:$0x3FFB];
	_ =	sdelay $0x3  }
0xb: {  	_ =	strace s4  }
0xc: {  	s4 =	sld [smem:$0x3FFC];
	_ =	sdelay $0x3  }
0xd: {  	_ =	strace s4  }
0xe: {  	s4 =	sld [smem:$0x3FFD];
	_ =	sdelay $0x3  }
0xf: {  	_ =	strace s4  }
0x10: {  	_ =	strace $0x8FFFFFFF  }
0x11: {  	s21 =	sld [smem:$0x3FDB];
	_ =	sdelay $0x1  }
0x12: {  	s5 =	simm.s32 $_scs_section_size  }
0x13: {  	s6 =	simm.s32 $_size__tile_overlayer_lowered;
	s7 =	simm.s32 $_tile_overlayer_lowered  }
0x14: {  	s24 =	simm.s32 $0x1BFF;
	s23 =	sshll.u32 s7, $0x1;
	s4 =	sadd.s32 s5, s21  }
0x15: {  	s8 =	simm.s32 $0x0;
	s22 =	sshll.u32 s6, $0x1;
	s6 =	sadd.s32 s23, s4  }
0x16: {  	[timem:s8], [sflag:s24] =	dma.local [hbm:s6], s22  }
0x17: {  	_ =	swait.ge [sflag:s24], s22  }
0x18: {  	s5 =	ssub.s32 $0x0, s22;
	[sflag:s24] =	ssyncset.done $0x0  }
0x19: {  	[sflag:s24] =	ssyncadd.s32 s5;
	_ =	sdelay $0x1  }
0x1a: {  	s25 =	simm.s32 $0x1B8B  }
0x1b: {  	_ =	swait.ge [sflag:s25], $0x1  }
0x1c: {  	[sflag:s25] =	ssyncset.done $0x0  }
0x1d: {  	s26 =	simm.s32 $0x1B8E;
	[sflag:s25] =	ssyncadd.s32 $0xFFFFFFFF  }
0x1e: {  	s27 =	simm.s32 $execute0_lowered;
	[smem:$0x3FD2] =	sst s26  }
0x1f: {  	s5 =	sshll.u32 s27, $0x1;
	_ =	strace $0x80000046;
	[dreg:$0x1] =	wrdreg $0xFFFFFFFF  }
0x20: {  	s28 =	simm.s32 $_size_execute0_lowered;
	s4 =	sadd.s32 s4, s5;
	[dreg:$0x0] =	wrdreg $0x0  }
0x21: {  	s5 =	sshll.u32 s28, $0x1;
	[dreg:$0x2] =	wrdreg s4  }
0x22: {  	[dreg:$0x3] =	wrdreg s5  }
0x23: {  	[dreg:$0x4] =	wrdreg $0xC0  }
0x24: {  	_ =	task [dreg:s8], $0x5FFFF  }
0x25: {  	[dreg:$0x1] =	wrdreg $0xFFFFFFFF  }
0x26: {  	[dreg:$0x0] =	wrdreg $0x60  }
0x27: {  	[dreg:$0x2] =	wrdreg s2  }
0x28: {  	[dreg:$0x3] =	wrdreg s20  }
0x29: {  	[dreg:$0x4] =	wrdreg $0x9  }
0x2a: {  	_ =	task.clear_ibuf [dreg:s8], $0x5FFFF;
	_ =	strace $0x90000046  }
0x2b: {  	s29 =	simm.s32 $0x9;
	_ =	strace $0x80000048  }
0x2c: {  	_ =	swait.ge [sflag:s29], $0x1  }
0x2d: {  	[sflag:s29] =	ssyncadd.s32 $0xFFFFFFFF  }
0x2e: {  	_ =	strace $0x90000048  }
0x2f: {  	_ =	sfence  }
0x30: {  	s30 =	sld [smem:$0x0];
	_ =	sdelay $0x2  }
0x31: {  	s31 =	sshll.u32 s1, $0xD;
	s1 =	sshrl.u32 s1, $0x2  }
0x32: {  	s3 =	sand.u32 $0x4000, s31;
	s1 =	sadd.s32 s1, s30  }
0x33: {  	s0 =	sor.u32 s3, s0;
	s1 =	sshll.u32 s1, $0x11  }
0x34: {  	s0 =	sor.u32 s1, s0  }
0x35: {  	s0 =	sadd.s32 $0x8F2B, s0  }
0x36: {  	[sflag:s0] =	ssyncadd.remote.s32 $0x1  }
0x37: {  	_ =	sfence.sel $0xFFFF  }
0x38: {  	[dreg:$0x0] =	wrdreg $0xFFFFFFFF;
	(pc) =	sbr.abs _section_cstart, $3  }
0x39: {  	[dreg:$0x1] =	wrdreg $0xFFFFFFFF  }
0x3a: {  	_ =	task.clear_ibuf [dreg:s8], $0x2FFFF;
	_ =	strace $0x9FFFFFFF  }
0x3b: {  	(tm) =	ssettm $0x7FFFFFFF  }
tec
execute0_lowered:
.L_overlay_start_1:
0x0: {  	(tag) =	ssettag $0x1  }
0x1: {  	s2 =	rddreg [dreg:$0x0]  }
0x2: {  	s3 =	rddreg [dreg:$0x1]  }
0x3: {  	s0 =	rddreg [dreg:$0x2];
	_ =	strace $0x80000047  }
0x4: {  	s4 =	srdreg.scid;
	s1 =	stileid.u32;
	s6 =	simm.s32 $0x2  }
.Ltmp0:
0x5: {  	s11 =	simm.s32 $0x0;
	p0 =	por $0x0, $0x0;
	(pc) =	sbr.rel .LBB1_1-.Ltmp0, $4  }
0x6: {  	s7 =	simm.s32 $0x1000;
	s12 =	simm.s32 $0x0;
	s5 =	sshll.u32 s4, $0x4  }
0x7: {  	s9 =	simm.s32 $0x0;
	s4 =	simm.s32 $0x1;
	s5 =	sand.u32 $0x10, s5  }
0x8: {  	s8 =	simm.s32 $0x0;
	[sflag:s4] =	ssyncpa.u1 $0x0;
	s5 =	sor.u32 s1, s5  }
0x9: {  	[sflag:s6] =	ssyncpa.u1 $0x0;
	s6 =	simm.s32 $0x800;
	s10 =	smov.u32 s5  }
.LBB1_7:
0xa: {  	s13 =	sadd.s32 $0x10, s9  }
0xb: {  	s11 =	sadd.s32 $0x20, s10;
	s15 =	smov.u32 s10;
	p2 =	sgt.s32 s13, $0x1F  }
0xc: {  	p1 =	slt.u32 s8, $0x2;
	s15 =	smov.u32 @p2 s11  }
0xd: {  	s8 =	sadd.s32 $0x1, s8;
	s13 =	simm.s32 @p2 $0x0;
	p2 =	sgt.s32 s15, $0x1FF  }
0xe: {  	s15 =	smov.u32 @p2 s5;
	p2 =	sne.s32 s8, $0x22  }
.Ltmp1:
0xf: {  	_ = 	snop;
	(pc) =	sbr.rel @!p2 .LBB1_8-.Ltmp1, $4  }
0x10: {  	s14 =	simm.s32 @!p1 $0x2  }
0x11: {  	s12 =	smov.u32 s10;
	_ =	swait.ge @!p1 [sflag:s14], $0x4000  }
0x12: {  	p0 =	por !p0, !p0;
	s11 =	smov.u32 s9;
	[sflag:s14] =	ssyncset.done @!p1 $0x0  }
0x13: {  	s9 =	smov.u32 s13;
	[sflag:s14] =	ssyncadd.s32 @!p1 $0xFFFFC000;
	s10 =	smov.u32 s15  }
.LBB1_1:
0x14: {  	p1 =	sgt.u32 s8, $0x1F  }
0x15: {  	s13 =	sxor.u32 @!p1 $0xFFFFFFFF, s8;
	s14 =	sshll.u32 @!p1 s10, $0xC  }
0x16: {  	s15 =	sshll.u32 @!p1 s9, $0x7;
	s13 =	sshll.u32 @!p1 s13, $0xE;
	s14 =	sadd.s32 @!p1 s2, s14  }
0x17: {  	s13 =	sand.u32 @!p1 $0x4000, s13;
	s14 =	sadd.s32 @!p1 s15, s14;
	s15 =	simm.s32 @!p1 $0x0  }
0x18: {  	[tilespmem:s13], [sflag:$0x1] =	stream.linear.gather @!p1 [hbm4b:s14+s15], $0x4000, $0x38;
	[tilespmem:$0x10000] =	vst v63  }
0x19: {  	p1 =	seq.s32 s8, $0x0  }
0x1a: {  	p2 =	seq.s32 @!p1 s8, $0x21  }
0x1b: {  	p1 =	por p1, p2  }
.Ltmp2:
0x1c: {  	_ = 	snop;
	(pc) =	sbr.rel @p1 .LBB1_7-.Ltmp2, $1  }
0x1d: {  	_ =	sdelay $0x3  }
0x1e: {  	s13 =	simm.s32 $0x1;
	_ =	swait.ge [sflag:s4], $0x4000;
	s16 =	sshll.u32 s8, $0xE  }
0x1f: {  	s13 =	simm.s32 @!p0 $0x0;
	[sflag:s4] =	ssyncset.done $0x0;
	s31 =	sand.u32 $0x4000, s16  }
0x20: {  	s16 =	simm.s32 $0x0;
	s14 =	sshll.u32 s13, $0xE;
	[sflag:s4] =	ssyncadd.s32 $0xFFFFC000  }
0x21: {  	s13 =	sor.u32 $0x8040, s14;
	s15 =	sor.u32 $0x40, s14;
	s14 =	sor.u32 $0x8000, s31  }
.LBB1_3:
0x22: {  	v0 =	vmov s15;
	_ =	sdelay $0x3  }
0x23: {  	s18 =	simm.s32 $0x0  }
0x24: {  	v6 =	vld.idx.msk [tilespmem:v0+s18+$0x30 ss:$0x1], $0xffff  }
0x25: {  	v7 =	vld.idx.msk [tilespmem:v0+s18+$0xFFFFFFC0 ss:$0x1], $0xffff  }
0x26: {  	v5 =	vld.idx.msk [tilespmem:v0+s18+$0xFFFFFFD0 ss:$0x1], $0xffff  }
0x27: {  	v4 =	vld.idx.msk [tilespmem:v0+s18+$0xFFFFFFE0 ss:$0x1], $0xffff  }
0x28: {  	v3 =	vld.idx.msk [tilespmem:v0+s18+$0xFFFFFFF0 ss:$0x1], $0xffff  }
0x29: {  	v1 =	vld.idx.msk [tilespmem:v0+s18+$0x0 ss:$0x1], $0xffff  }
0x2a: {  	v2 =	vld.idx.msk [tilespmem:v0+s18+$0x10 ss:$0x1], $0xffff;
	[tilespmem:s13+$0x30] =	vst v6  }
0x2b: {  	s17 =	simm.s32 $0x80;
	s19 =	simm.s32 $0x400;
	[tilespmem:s13+$0xFFFFFFC0] =	vst v7;
	v6 =	vld.idx.msk [tilespmem:v0+s18+$0x20 ss:$0x1], $0xffff;
	s18 =	smov.u32 s13  }
.LBB1_4:
0x2c: {  	p1 =	sne.s32 s19, $0xE00;
	v7 =	vld.idx.msk [tilespmem:v0+s17+$0x30 ss:$0x1], $0xffff;
	[tilespmem:s18+$0xFFFFFFD0] =	vst v5  }
0x2d: {  	v8 =	vld.idx.msk [tilespmem:v0+s17+$0xFFFFFFC0 ss:$0x1], $0xffff;
	[tilespmem:s18+$0xFFFFFFE0] =	vst v4  }
0x2e: {  	v5 =	vld.idx.msk [tilespmem:v0+s17+$0xFFFFFFD0 ss:$0x1], $0xffff;
	[tilespmem:s18+$0xFFFFFFF0] =	vst v3  }
.Ltmp3:
0x2f: {  	v4 =	vld.idx.msk [tilespmem:v0+s17+$0xFFFFFFE0 ss:$0x1], $0xffff;
	[tilespmem:s18+$0x0] =	vst v1;
	(pc) =	sbr.rel @p1 .LBB1_4-.Ltmp3, $4  }
0x30: {  	v3 =	vld.idx.msk [tilespmem:v0+s17+$0xFFFFFFF0 ss:$0x1], $0xffff;
	[tilespmem:s18+$0x10] =	vst v2  }
0x31: {  	v1 =	vld.idx.msk [tilespmem:v0+s17+$0x0 ss:$0x1], $0xffff;
	[tilespmem:s18+$0x20] =	vst v6;
	s18 =	sadd.s32 $0x800, s18  }
0x32: {  	v2 =	vld.idx.msk [tilespmem:v0+s17+$0x10 ss:$0x1], $0xffff;
	[tilespmem:s18+$0x30] =	vst v7  }
0x33: {  	[tilespmem:s18+$0xFFFFFFC0] =	vst v8;
	v6 =	vld.idx.msk [tilespmem:v0+s17+$0x20 ss:$0x1], $0xffff;
	s17 =	sshra.s32 s19, $0x2;
	s19 =	sadd.s32 $0x200, s19  }
0x34: {  	_ =	sdelay $0x2  }
0x35: {  	[tilespmem:s18+$0xFFFFFFD0] =	vst v5  }
0x36: {  	v56 =	vld.idx.msk [tilespmem:v0+s17+$0x30 ss:$0x1], $0xffff;
	[tilespmem:s18+$0xFFFFFFE0] =	vst v4  }
0x37: {  	v57 =	vld.idx.msk [tilespmem:v0+s17+$0xFFFFFFC0 ss:$0x1], $0xffff;
	[tilespmem:s18+$0xFFFFFFF0] =	vst v3  }
0x38: {  	v58 =	vld.idx.msk [tilespmem:v0+s17+$0xFFFFFFD0 ss:$0x1], $0xffff;
	[tilespmem:s18+$0x0] =	vst v1  }
0x39: {  	v59 =	vld.idx.msk [tilespmem:v0+s17+$0xFFFFFFE0 ss:$0x1], $0xffff;
	[tilespmem:s18+$0x10] =	vst v2  }
0x3a: {  	v60 =	vld.idx.msk [tilespmem:v0+s17+$0xFFFFFFF0 ss:$0x1], $0xffff;
	s31 =	sadd.s32 $0x800, s18;
	[tilespmem:s18+$0x20] =	vst v6  }
0x3b: {  	v61 =	vld.idx.msk [tilespmem:v0+s17+$0x0 ss:$0x1], $0xffff;
	[tilespmem:s31+$0x30] =	vst v56  }
0x3c: {  	v62 =	vld.idx.msk [tilespmem:v0+s17+$0x10 ss:$0x1], $0xffff;
	s16 =	sadd.s32 $0x1, s16;
	[tilespmem:s31+$0xFFFFFFC0] =	vst v57  }
0x3d: {  	v63 =	vld.idx.msk [tilespmem:v0+s17+$0x20 ss:$0x1], $0xffff;
	p1 =	sne.s32 s16, $0x10;
	[tilespmem:s31+$0xFFFFFFD0] =	vst v58  }
.Ltmp4:
0x3e: {  	[tilespmem:s31+$0xFFFFFFE0] =	vst v59;
	(pc) =	sbr.rel @p1 .LBB1_3-.Ltmp4, $4  }
0x3f: {  	[tilespmem:s31+$0xFFFFFFF0] =	vst v60  }
0x40: {  	[tilespmem:s31+$0x0] =	vst v61  }
0x41: {  	[tilespmem:s31+$0x10] =	vst v62  }
0x42: {  	s13 =	sadd.s32 $0x80, s13;
	s15 =	sadd.s32 $0x400, s15;
	[tilespmem:s31+$0x20] =	vst v63  }
.Ltmp5:
0x43: {  	(pc) =	sbr.rel .LBB1_7-.Ltmp5, $4  }
0x44: {  	s12 =	sshll.u32 s12, $0xC;
	s11 =	sshll.u32 s11, $0x4  }
0x45: {  	s11 =	sand.u32 $0x1F0, s11;
	s12 =	sadd.s32 s3, s12  }
0x46: {  	s11 =	sadd.s32 s11, s12  }
0x47: {  	[hbm4b:s11+s6] =	stream.strided.scatter [tilespmem:s14], [sflag:$0x2], $0x4000, s7, s6, $0x38;
	[tilespmem:$0x10000] =	vst v63  }
.LBB1_8:
0x48: {  	_ =	sfence.sel $0x180000  }
0x49: {  	s2 =	simm.s32 $0x1;
	[bflag:$0x0] =	sbarrier.arrive $0xFFFF  }
0x4a: {  	s31 =	simm.s32 $0x2;
	[sflag:s2] =	ssyncpa.u1 $0x1  }
0x4b: {  	[sflag:s31] =	ssyncpa.u1 $0x1  }
0x4c: {  	p0 =	sne.s32 s1, $0x0;
	_ =	strace $0x90000047  }
0x4d: {  	s0 =	sadd.s32 @!p0 $0x100000, s0;
	[bflag:$0x2] =	sbarrier.arrive $0xFFFF  }
0x4e: {  	[sflag:s0] =	ssyncadd.tile.s32 @!p0 $0x1;
	_ =	shalt  }
.Lfunc_end1:
_tile_overlayer_lowered:
.L_overlay_start_2:
0x4f: {  	(tag) =	ssettag $0x2  }
0x50: {  	s0 =	rddreg [dreg:$0x0];
	s2 =	stileid.u32  }
0x51: {  	s1 =	rddreg [dreg:$0x1];
	p0 =	sne.s32 s2, $0x0  }
0x52: {  	s3 =	rddreg [dreg:$0x2];
	[bflag:$0x3] =	sbarrier.arrive $0xFFFF;
	s2 =	simm.s32 @!p0 $0x1C01  }
0x53: {  	[timem:s3], [sflag:s2] =	dma.local @!p0 [hbm:s0], s1  }
0x54: {  	s0 =	simm.s32 @!p0 $0x1  }
0x55: {  	_ =	swait.ge @!p0 [sflag:s0], s1  }
0x56: {  	s1 =	ssub.s32 @!p0 $0x0, s1;
	[sflag:s0] =	ssyncset.done @!p0 $0x0  }
0x57: {  	[sflag:s0] =	ssyncadd.s32 @!p0 s1  }
0x58: {  	[bflag:$0x3] =	sbarrier.arrive $0xFFFF  }
0x59: {  	_ =	shalt  }

</sc_bundles>
